<compile_context>
chip_gen: v7x
topology: tpu7x:2x2x1
jax: 0.10.2.dev20260603
libtpu: 0.0.44.dev20260713+nightly
codegen_flags: <defaults>
</compile_context>

<pallas_src>
import functools

import jax
import jax.numpy as jnp
from jax import lax
from jax.experimental import pallas as pl
from jax.experimental.pallas import tpu as pltpu
from jax.experimental.pallas import tpu_sc as plsc

D = 128
HD = D // 2
LANE = 16
NC, NS = 2, 16
NW = NC * NS



def _prep_body(s_ref, p_ref, x_ref, w_ref, q1_ref, q2_ref, m_ref,
               w1_ref, w2_ref, u_ref, i_ref):
    u_ref[:, :D] = (s_ref[...] + p_ref[...]).astype(jnp.bfloat16)
    u_ref[:, D:] = (x_ref[...] * w1_ref[...]
                    + w_ref[...] * w2_ref[...]).astype(jnp.bfloat16)
    i_ref[:, :D] = (q1_ref[...] + q2_ref[...]).astype(jnp.bfloat16)
    i_ref[:, D:] = m_ref[...].astype(jnp.bfloat16)


def _prep_tables(s, p, x, w, q1, q2, m, w1r, w2r):
    n = s.shape[0]
    blk = 2000
    grid = n // blk
    node_spec = pl.BlockSpec((blk, D), lambda i: (i, 0))
    row_spec = pl.BlockSpec((1, D), lambda i: (0, 0))
    out_spec = pl.BlockSpec((blk, 2 * D), lambda i: (i, 0))
    return pl.pallas_call(
        _prep_body,
        grid=(grid,),
        in_specs=[node_spec] * 7 + [row_spec, row_spec],
        out_specs=(out_spec, out_spec),
        out_shape=(jax.ShapeDtypeStruct((n, 2 * D), jnp.bfloat16),
                   jax.ShapeDtypeStruct((n, 2 * D), jnp.bfloat16)),
    )(s, p, x, w, q1, q2, m, w1r, w2r)



def _sc_gather_call(u_tab, i_tab, src, dst, n_edges):
    epw = n_edges // NW
    ch = 40
    nchunk = epw // ch
    npair = nchunk // 2

    mesh = plsc.VectorSubcoreMesh(core_axis_name="c", subcore_axis_name="s")

    @functools.partial(
        pl.kernel,
        out_type=(jax.ShapeDtypeStruct((n_edges, HD), jnp.float32),
                  jax.ShapeDtypeStruct((n_edges, LANE), jnp.float32)),
        mesh=mesh,
        compiler_params=pltpu.CompilerParams(needs_layout_passes=False),
        scratch_types=[
            pltpu.VMEM((epw,), jnp.int32),
            pltpu.VMEM((epw,), jnp.int32),
            pltpu.VMEM((2, ch, D), jnp.float32),
            pltpu.VMEM((2, ch, D), jnp.float32),
            pltpu.VMEM((2, ch, HD), jnp.float32),
            pltpu.VMEM((2, ch, LANE), jnp.float32),
            pltpu.SemaphoreType.DMA,
            pltpu.SemaphoreType.DMA,
            pltpu.SemaphoreType.DMA,
            pltpu.SemaphoreType.DMA,
        ],
    )
    def sc_kernel(u_hbm, i_hbm, src_hbm, dst_hbm, c_hbm, dot_hbm,
                  src_v, dst_v, u_rows, i_rows, c_st, dot_st,
                  gsem_a, gsem_b, wsem_a, wsem_b):
        wid = lax.axis_index("s") * NC + lax.axis_index("c")
        base = wid * epw
        gsems = (gsem_a, gsem_b)
        wsems = (wsem_a, wsem_b)

        pltpu.sync_copy(src_hbm.at[pl.ds(base, epw)], src_v)
        pltpu.sync_copy(dst_hbm.at[pl.ds(base, epw)], dst_v)

        def issue_gather(j, b):
            loc = j * ch
            pltpu.async_copy(u_hbm.at[src_v.at[pl.ds(loc, ch)]],
                             u_rows.at[b], gsems[b])
            pltpu.async_copy(i_hbm.at[dst_v.at[pl.ds(loc, ch)]],
                             i_rows.at[b], gsems[b])

        def wait_gather(b):
            pltpu.make_async_copy(u_hbm.at[pl.ds(0, ch)], u_rows.at[b],
                                  gsems[b]).wait()
            pltpu.make_async_copy(i_hbm.at[pl.ds(0, ch)], i_rows.at[b],
                                  gsems[b]).wait()

        def compute(b):
            def edge(k, carry2):
                for r in range(4):
                    sl = pl.ds(r * LANE, LANE)
                    u_bf = plsc.bitcast(u_rows[b, k, sl], jnp.bfloat16)
                    i_bf = plsc.bitcast(i_rows[b, k, sl], jnp.bfloat16)
                    c_st[b, k, sl] = plsc.bitcast(u_bf + i_bf, jnp.float32)
                acc = jnp.zeros((LANE,), jnp.float32)
                for r in range(4, 8):
                    sl = pl.ds(r * LANE, LANE)
                    g_bf = plsc.bitcast(u_rows[b, k, sl], jnp.bfloat16)
                    m_bf = plsc.bitcast(i_rows[b, k, sl], jnp.bfloat16)
                    pe, po = plsc.unpack(g_bf * m_bf,
                                         format=plsc.PackFormat.INTERLEAVED)
                    acc = acc + pe + po
                dot_st[b, k, :] = acc
                return carry2

            lax.fori_loop(0, ch, edge, 0, unroll=2)

        def issue_write(j, b):
            off = base + j * ch
            pltpu.async_copy(c_st.at[b], c_hbm.at[pl.ds(off, ch)], wsems[b])
            pltpu.async_copy(dot_st.at[b], dot_hbm.at[pl.ds(off, ch)],
                             wsems[b])

        def drain_write(b):
            pltpu.make_async_copy(c_st.at[b], c_hbm.at[pl.ds(0, ch)],
                                  wsems[b]).wait()
            pltpu.make_async_copy(dot_st.at[b], dot_hbm.at[pl.ds(0, ch)],
                                  wsems[b]).wait()

        issue_gather(0, 0)
        issue_gather(1, 1)

        def pair(t, carry):
            j = 2 * t

            @pl.when(t >= 1)
            def _():
                drain_write(0)

            wait_gather(0)
            compute(0)
            issue_write(j, 0)

            @pl.when(t < npair - 1)
            def _():
                issue_gather(j + 2, 0)

            @pl.when(t >= 1)
            def _():
                drain_write(1)

            wait_gather(1)
            compute(1)
            issue_write(j + 1, 1)

            @pl.when(t < npair - 1)
            def _():
                issue_gather(j + 3, 1)

            return carry

        lax.fori_loop(0, npair, pair, 0)
        drain_write(0)
        drain_write(1)

    return sc_kernel(u_tab, i_tab, src, dst)



def _mlp_body(c_ref, dot_ref, we_ref, wo_ref, bm_ref, wl_ref, bl_ref,
              b1_ref, b2_ref, o_ref):
    ci = lax.bitcast_convert_type(c_ref[...], jnp.int32)
    c_e = lax.bitcast_convert_type(jnp.left_shift(ci, 16), jnp.float32)
    c_o = lax.bitcast_convert_type(
        jnp.bitwise_and(ci, jnp.int32(-65536)), jnp.float32)
    u_e = jnp.where(c_e >= 0, c_e, 0.01 * c_e)
    u_o = jnp.where(c_o >= 0, c_o, 0.01 * c_o)
    z = lax.dot_general(u_e, we_ref[...], (((1,), (1,)), ((), ())),
                        preferred_element_type=jnp.float32)
    z = z + lax.dot_general(u_o, wo_ref[...], (((1,), (1,)), ((), ())),
                            preferred_element_type=jnp.float32)
    z = z + bm_ref[...]
    h = jnp.where(z >= 0, z, 0.01 * z)
    o = jnp.sum(h * wl_ref[...], axis=1, keepdims=True)
    dot = jnp.sum(dot_ref[...], axis=1, keepdims=True)
    o_ref[...] = o + dot + (bl_ref[...] + b1_ref[...] + b2_ref[...])


def _mlp_call(c_pk, dot_col, w_e, w_o, bm_row, wl_row, bl, b1, b2):
    n_edges = c_pk.shape[0]
    be = 512
    grid = n_edges // be
    return pl.pallas_call(
        _mlp_body,
        grid=(grid,),
        in_specs=[
            pl.BlockSpec((be, HD), lambda i: (i, 0)),
            pl.BlockSpec((be, LANE), lambda i: (i, 0)),
            pl.BlockSpec((D, HD), lambda i: (0, 0)),
            pl.BlockSpec((D, HD), lambda i: (0, 0)),
            pl.BlockSpec((1, D), lambda i: (0, 0)),
            pl.BlockSpec((1, D), lambda i: (0, 0)),
            pl.BlockSpec((1, 1), lambda i: (0, 0)),
            pl.BlockSpec((1, 1), lambda i: (0, 0)),
            pl.BlockSpec((1, 1), lambda i: (0, 0)),
        ],
        out_specs=pl.BlockSpec((be, 1), lambda i: (i, 0)),
        out_shape=jax.ShapeDtypeStruct((n_edges, 1), jnp.float32),
    )(c_pk, dot_col, w_e, w_o, bm_row, wl_row, bl, b1, b2)



def kernel(s, p, x, w, q1, q2, m, edge_index,
           W_mlp, b_mlp, W_L, b_L, W_1, b_1, W_2, b_2):
    n_edges = edge_index.shape[1]
    src = edge_index[0].astype(jnp.int32)
    dst = edge_index[1].astype(jnp.int32)
    w1r = W_1.reshape(1, D)
    w2r = W_2.reshape(1, D)
    u_tab, i_tab = _prep_tables(s, p, x, w, q1, q2, m, w1r, w2r)
    n_user = s.shape[0]
    n_item = q1.shape[0]
    u_pk = lax.bitcast_convert_type(u_tab.reshape(n_user, D, 2), jnp.float32)
    i_pk = lax.bitcast_convert_type(i_tab.reshape(n_item, D, 2), jnp.float32)
    c_pk, dot = _sc_gather_call(u_pk, i_pk, src, dst, n_edges)
    w_e = W_mlp[:, 0::2]
    w_o = W_mlp[:, 1::2]
    return _mlp_call(c_pk, dot, w_e, w_o,
                     b_mlp.reshape(1, D), W_L.reshape(1, D),
                     b_L.reshape(1, 1), b_1.reshape(1, 1), b_2.reshape(1, 1))

# --- scband reference (transcript-rebuilt; emitter-appended) ---
"""Pipeline reference for scband-neural-interest-network-13503377179003 (READ-ONLY COPY).

The authoritative reference and input builder live on the scoring server;
editing this copy changes nothing except your own understanding.
"""

import jax, jax.numpy as jnp
import numpy as np

N_USER = 10000
N_ITEM = 10000
E = 320000
D = 128

def leaky_relu(v):
    return jnp.where(v >= 0, v, 0.01 * v)

def setup_inputs(seed: int = 0) -> dict:
    key = jax.random.key(seed)
    ks = jax.random.split(key, 16)
    inp = {}
    inp['s'] = jax.random.normal(ks[0], (N_USER, D), dtype=jnp.float32)
    inp['p'] = jax.random.normal(ks[1], (N_USER, D), dtype=jnp.float32)
    inp['x'] = jax.random.normal(ks[2], (N_USER, D), dtype=jnp.float32)
    inp['w'] = jax.random.normal(ks[3], (N_USER, D), dtype=jnp.float32)
    inp['q1'] = jax.random.normal(ks[4], (N_ITEM, D), dtype=jnp.float32)
    inp['q2'] = jax.random.normal(ks[5], (N_ITEM, D), dtype=jnp.float32)
    inp['m'] = jax.random.normal(ks[6], (N_ITEM, D), dtype=jnp.float32)
    inp['edge_index'] = jax.random.randint(ks[7], (2, E), 0, N_USER)
    # learned parameters (interest MLP + three output heads)
    scale = 1.0 / np.sqrt(D)
    inp['W_mlp'] = jax.random.normal(ks[8], (D, D), dtype=jnp.float32) * scale
    inp['b_mlp'] = jnp.zeros((D,), dtype=jnp.float32)
    inp['W_L'] = jax.random.normal(ks[9], (D, 1), dtype=jnp.float32) * scale
    inp['b_L'] = jnp.zeros((1,), dtype=jnp.float32)
    inp['W_1'] = jax.random.normal(ks[10], (D, 1), dtype=jnp.float32) * scale
    inp['b_1'] = jnp.zeros((1,), dtype=jnp.float32)
    inp['W_2'] = jax.random.normal(ks[11], (D, 1), dtype=jnp.float32) * scale
    inp['b_2'] = jnp.zeros((1,), dtype=jnp.float32)
    return inp

def reference(s, p, x, w, q1, q2, m, edge_index, W_mlp, b_mlp, W_L, b_L, W_1, b_1, W_2, b_2):
    src = edge_index[0]  # user ids per 'rate' edge
    dst = edge_index[1]  # item ids per 'rate' edge
    c1 = s + p           # user node data 'c1'
    c2 = q1 + q2         # item node data 'c2'
    # apply_edges u_add_v -> gather per edge
    c = jnp.take(c1, src, axis=0) + jnp.take(c2, dst, axis=0)
    # interest_mlp: LeakyReLU -> Linear -> LeakyReLU
    h_L = leaky_relu(leaky_relu(c) @ W_mlp.T + b_mlp)
    # apply_edges u_mul_v
    h1 = jnp.take(x, src, axis=0) * jnp.take(m, dst, axis=0)
    h2 = jnp.take(w, src, axis=0) * jnp.take(m, dst, axis=0)
    output = (h_L @ W_L + b_L) + (h1 @ W_1 + b_1) + (h2 @ W_2 + b_2)
    return output

if __name__ == "__main__":
    import jax
    _d = setup_inputs()
    print(jax.jit(kernel)(*tuple(_d.values())))

</pallas_src>

<mosaic_0001>
#map = affine_map<(d0, d1) -> (0, 0)>
#map1 = affine_map<(d0, d1) -> (0)>
module attributes {stable_mosaic.version = 14 : i64} {
  func.func @sc_kernel(%arg0: i32, %arg1: i32, %arg2: memref<10000x128xf32, #tpu.memory_space<hbm>>, %arg3: memref<10000x128xf32, #tpu.memory_space<hbm>>, %arg4: memref<320000xi32, #tpu.memory_space<hbm>>, %arg5: memref<320000xi32, #tpu.memory_space<hbm>>, %arg6: memref<320000x64xf32, #tpu.memory_space<hbm>>, %arg7: memref<320000x16xf32, #tpu.memory_space<hbm>>, %arg8: memref<10000xi32, #tpu.memory_space<vmem>>, %arg9: memref<10000xi32, #tpu.memory_space<vmem>>, %arg10: memref<2x40x128xf32, #tpu.memory_space<vmem>>, %arg11: memref<2x40x128xf32, #tpu.memory_space<vmem>>, %arg12: memref<2x40x64xf32, #tpu.memory_space<vmem>>, %arg13: memref<2x40x16xf32, #tpu.memory_space<vmem>>, %arg14: memref<!tpu.dma_semaphore, #tpu.memory_space<semaphore_mem>>, %arg15: memref<!tpu.dma_semaphore, #tpu.memory_space<semaphore_mem>>, %arg16: memref<!tpu.dma_semaphore, #tpu.memory_space<semaphore_mem>>, %arg17: memref<!tpu.dma_semaphore, #tpu.memory_space<semaphore_mem>>) attributes {dimension_semantics = [#tpu.dimension_semantics<core_parallel>, #tpu.dimension_semantics<subcore_parallel>], iteration_bounds = array<i64: 2, 16>, scalar_prefetch = 0 : i64, scratch_operands = 10 : i64, tpu.core_type = #tpu.core_type<sc_vector_subcore>, window_params = [{transform_indices = #map}, {transform_indices = #map}, {transform_indices = #map1}, {transform_indices = #map1}, {transform_indices = #map}, {transform_indices = #map}]} {
    %mul3A = arith.constant 2 : i32
    %mul3A_0 = arith.muli %arg1, %mul3A : i32
    %add3A = arith.addi %mul3A_0, %arg0 : i32
    %mul3A_1 = arith.constant 10000 : i32
    %mul3A_2 = arith.muli %add3A, %mul3A_1 : i32
    "tpu.region"() ({
      %run_scoped3A = tpu.sem_alloc : memref<!tpu.dma_semaphore, #tpu.memory_space<semaphore_mem>>
      %dma_start3A_106 = tpu.memref_slice %arg4[%mul3A_2] : memref<320000xi32, #tpu.memory_space<hbm>> -> memref<10000xi32, #tpu.memory_space<hbm>>
      %dma_start3A_107 = tpu.memref_slice %arg4[%mul3A_2] : memref<320000xi32, #tpu.memory_space<hbm>> -> memref<10000xi32, #tpu.memory_space<hbm>>
      tpu.enqueue_dma source(%dma_start3A_107 : memref<10000xi32, #tpu.memory_space<hbm>>) target(%arg8 : memref<10000xi32, #tpu.memory_space<vmem>>) target_semaphore(%run_scoped3A : memref<!tpu.dma_semaphore, #tpu.memory_space<semaphore_mem>>)
      %dma_wait3A_108 = tpu.memref_slice %arg4[%mul3A_2] : memref<320000xi32, #tpu.memory_space<hbm>> -> memref<10000xi32, #tpu.memory_space<hbm>>
      %dma_wait3A_109 = tpu.memref_slice %arg4[%mul3A_2] : memref<320000xi32, #tpu.memory_space<hbm>> -> memref<10000xi32, #tpu.memory_space<hbm>>
      tpu.wait_dma2 semaphore(%run_scoped3A : memref<!tpu.dma_semaphore, #tpu.memory_space<semaphore_mem>>) src(%dma_wait3A_109 : memref<10000xi32, #tpu.memory_space<hbm>>) dst(%arg8 : memref<10000xi32, #tpu.memory_space<vmem>>)
      tpu.yield
    }) : () -> ()
    "tpu.region"() ({
      %run_scoped3A = tpu.sem_alloc : memref<!tpu.dma_semaphore, #tpu.memory_space<semaphore_mem>>
      %dma_start3A_106 = tpu.memref_slice %arg5[%mul3A_2] : memref<320000xi32, #tpu.memory_space<hbm>> -> memref<10000xi32, #tpu.memory_space<hbm>>
      %dma_start3A_107 = tpu.memref_slice %arg5[%mul3A_2] : memref<320000xi32, #tpu.memory_space<hbm>> -> memref<10000xi32, #tpu.memory_space<hbm>>
      tpu.enqueue_dma source(%dma_start3A_107 : memref<10000xi32, #tpu.memory_space<hbm>>) target(%arg9 : memref<10000xi32, #tpu.memory_space<vmem>>) target_semaphore(%run_scoped3A : memref<!tpu.dma_semaphore, #tpu.memory_space<semaphore_mem>>)
      %dma_wait3A_108 = tpu.memref_slice %arg5[%mul3A_2] : memref<320000xi32, #tpu.memory_space<hbm>> -> memref<10000xi32, #tpu.memory_space<hbm>>
      %dma_wait3A_109 = tpu.memref_slice %arg5[%mul3A_2] : memref<320000xi32, #tpu.memory_space<hbm>> -> memref<10000xi32, #tpu.memory_space<hbm>>
      tpu.wait_dma2 semaphore(%run_scoped3A : memref<!tpu.dma_semaphore, #tpu.memory_space<semaphore_mem>>) src(%dma_wait3A_109 : memref<10000xi32, #tpu.memory_space<hbm>>) dst(%arg9 : memref<10000xi32, #tpu.memory_space<vmem>>)
      tpu.yield
    }) : () -> ()
    %dma_start3A = arith.constant 0 : i32
    %dma_start3A_3 = arith.constant 0 : i32
    %dma_start3A_4 = arith.constant 0 : i32
    %dma_start3A_5 = tpu.memref_slice %arg10[%dma_start3A, %dma_start3A_3, %dma_start3A_4] : memref<2x40x128xf32, #tpu.memory_space<vmem>> -> memref<1x40x128xf32, #tpu.memory_space<vmem>>
    %dma_start3A_6 = tpu.memref_squeeze %dma_start3A_5 : memref<1x40x128xf32, #tpu.memory_space<vmem>> -> memref<40x128xf32, #tpu.memory_space<vmem>>
    %dma_start3A_7 = arith.constant 0 : i32
    %dma_start3A_8 = tpu.memref_slice %arg8[%dma_start3A_7] : memref<10000xi32, #tpu.memory_space<vmem>> -> memref<40xi32, #tpu.memory_space<vmem>>
    %dma_start3A_9 = arith.constant 0 : i32
    %dma_start3A_10 = arith.constant 0 : i32
    %dma_start3A_11 = tpu.memref_slice %arg2[%dma_start3A_9, %dma_start3A_10] : memref<10000x128xf32, #tpu.memory_space<hbm>> -> memref<10000x128xf32, #tpu.memory_space<hbm>>
    tpu.enqueue_indirect_dma source(%dma_start3A_11 : memref<10000x128xf32, #tpu.memory_space<hbm>>) target(%dma_start3A_6 : memref<40x128xf32, #tpu.memory_space<vmem>>) offsets(%dma_start3A_8 : memref<40xi32, #tpu.memory_space<vmem>>) semaphore(%arg14 : memref<!tpu.dma_semaphore, #tpu.memory_space<semaphore_mem>>)
    %dma_start3A_12 = arith.constant 0 : i32
    %dma_start3A_13 = arith.constant 0 : i32
    %dma_start3A_14 = arith.constant 0 : i32
    %dma_start3A_15 = tpu.memref_slice %arg11[%dma_start3A_12, %dma_start3A_13, %dma_start3A_14] : memref<2x40x128xf32, #tpu.memory_space<vmem>> -> memref<1x40x128xf32, #tpu.memory_space<vmem>>
    %dma_start3A_16 = tpu.memref_squeeze %dma_start3A_15 : memref<1x40x128xf32, #tpu.memory_space<vmem>> -> memref<40x128xf32, #tpu.memory_space<vmem>>
    %dma_start3A_17 = arith.constant 0 : i32
    %dma_start3A_18 = tpu.memref_slice %arg9[%dma_start3A_17] : memref<10000xi32, #tpu.memory_space<vmem>> -> memref<40xi32, #tpu.memory_space<vmem>>
    %dma_start3A_19 = arith.constant 0 : i32
    %dma_start3A_20 = arith.constant 0 : i32
    %dma_start3A_21 = tpu.memref_slice %arg3[%dma_start3A_19, %dma_start3A_20] : memref<10000x128xf32, #tpu.memory_space<hbm>> -> memref<10000x128xf32, #tpu.memory_space<hbm>>
    tpu.enqueue_indirect_dma source(%dma_start3A_21 : memref<10000x128xf32, #tpu.memory_space<hbm>>) target(%dma_start3A_16 : memref<40x128xf32, #tpu.memory_space<vmem>>) offsets(%dma_start3A_18 : memref<40xi32, #tpu.memory_space<vmem>>) semaphore(%arg14 : memref<!tpu.dma_semaphore, #tpu.memory_space<semaphore_mem>>)
    %dma_start3A_22 = arith.constant 1 : i32
    %dma_start3A_23 = arith.constant 0 : i32
    %dma_start3A_24 = arith.constant 0 : i32
    %dma_start3A_25 = tpu.memref_slice %arg10[%dma_start3A_22, %dma_start3A_23, %dma_start3A_24] : memref<2x40x128xf32, #tpu.memory_space<vmem>> -> memref<1x40x128xf32, #tpu.memory_space<vmem>>
    %dma_start3A_26 = tpu.memref_squeeze %dma_start3A_25 : memref<1x40x128xf32, #tpu.memory_space<vmem>> -> memref<40x128xf32, #tpu.memory_space<vmem>>
    %dma_start3A_27 = arith.constant 40 : i32
    %dma_start3A_28 = tpu.memref_slice %arg8[%dma_start3A_27] : memref<10000xi32, #tpu.memory_space<vmem>> -> memref<40xi32, #tpu.memory_space<vmem>>
    %dma_start3A_29 = arith.constant 0 : i32
    %dma_start3A_30 = arith.constant 0 : i32
    %dma_start3A_31 = tpu.memref_slice %arg2[%dma_start3A_29, %dma_start3A_30] : memref<10000x128xf32, #tpu.memory_space<hbm>> -> memref<10000x128xf32, #tpu.memory_space<hbm>>
    tpu.enqueue_indirect_dma source(%dma_start3A_31 : memref<10000x128xf32, #tpu.memory_space<hbm>>) target(%dma_start3A_26 : memref<40x128xf32, #tpu.memory_space<vmem>>) offsets(%dma_start3A_28 : memref<40xi32, #tpu.memory_space<vmem>>) semaphore(%arg15 : memref<!tpu.dma_semaphore, #tpu.memory_space<semaphore_mem>>)
    %dma_start3A_32 = arith.constant 1 : i32
    %dma_start3A_33 = arith.constant 0 : i32
    %dma_start3A_34 = arith.constant 0 : i32
    %dma_start3A_35 = tpu.memref_slice %arg11[%dma_start3A_32, %dma_start3A_33, %dma_start3A_34] : memref<2x40x128xf32, #tpu.memory_space<vmem>> -> memref<1x40x128xf32, #tpu.memory_space<vmem>>
    %dma_start3A_36 = tpu.memref_squeeze %dma_start3A_35 : memref<1x40x128xf32, #tpu.memory_space<vmem>> -> memref<40x128xf32, #tpu.memory_space<vmem>>
    %dma_start3A_37 = arith.constant 40 : i32
    %dma_start3A_38 = tpu.memref_slice %arg9[%dma_start3A_37] : memref<10000xi32, #tpu.memory_space<vmem>> -> memref<40xi32, #tpu.memory_space<vmem>>
    %dma_start3A_39 = arith.constant 0 : i32
    %dma_start3A_40 = arith.constant 0 : i32
    %dma_start3A_41 = tpu.memref_slice %arg3[%dma_start3A_39, %dma_start3A_40] : memref<10000x128xf32, #tpu.memory_space<hbm>> -> memref<10000x128xf32, #tpu.memory_space<hbm>>
    tpu.enqueue_indirect_dma source(%dma_start3A_41 : memref<10000x128xf32, #tpu.memory_space<hbm>>) target(%dma_start3A_36 : memref<40x128xf32, #tpu.memory_space<vmem>>) offsets(%dma_start3A_38 : memref<40xi32, #tpu.memory_space<vmem>>) semaphore(%arg15 : memref<!tpu.dma_semaphore, #tpu.memory_space<semaphore_mem>>)
    %scan3A = arith.constant 0 : i32
    %scan3A_42 = arith.constant 0 : i32
    %scan3A_43 = arith.constant 125 : i32
    %scan3A_44 = arith.addi %scan3A_42, %scan3A_43 : i32
    %scan3A_45 = arith.constant 1 : i32
    scf.for %scan3A_106 = %scan3A_42 to %scan3A_44 step %scan3A_45  : i32 {
      %mul3A_107 = arith.constant 2 : i32
      %mul3A_108 = arith.muli %mul3A_107, %scan3A_106 : i32
      %ge3A = arith.constant 1 : i32
      %ge3A_109 = arith.cmpi sge, %scan3A_106, %ge3A : i32
      %convert_element_type3A = arith.extui %ge3A_109 : i1 to i32
      %cond3A = arith.constant 0 : i32
      %cond3A_110 = arith.cmpi ne, %convert_element_type3A, %cond3A : i32
      scf.if %cond3A_110 {
        %dma_wait3A_257 = arith.constant 0 : i32
        %dma_wait3A_258 = arith.constant 0 : i32
        %dma_wait3A_259 = arith.constant 0 : i32
        %dma_wait3A_260 = tpu.memref_slice %arg12[%dma_wait3A_257, %dma_wait3A_258, %dma_wait3A_259] : memref<2x40x64xf32, #tpu.memory_space<vmem>> -> memref<1x40x64xf32, #tpu.memory_space<vmem>>
        %dma_wait3A_261 = tpu.memref_squeeze %dma_wait3A_260 : memref<1x40x64xf32, #tpu.memory_space<vmem>> -> memref<40x64xf32, #tpu.memory_space<vmem>>
        %dma_wait3A_262 = arith.constant 0 : i32
        %dma_wait3A_263 = arith.constant 0 : i32
        %dma_wait3A_264 = tpu.memref_slice %arg6[%dma_wait3A_262, %dma_wait3A_263] : memref<320000x64xf32, #tpu.memory_space<hbm>> -> memref<40x64xf32, #tpu.memory_space<hbm>>
        %dma_wait3A_265 = arith.constant 0 : i32
        %dma_wait3A_266 = arith.constant 0 : i32
        %dma_wait3A_267 = tpu.memref_slice %arg6[%dma_wait3A_265, %dma_wait3A_266] : memref<320000x64xf32, #tpu.memory_space<hbm>> -> memref<40x64xf32, #tpu.memory_space<hbm>>
        %dma_wait3A_268 = arith.constant 0 : i32
        %dma_wait3A_269 = arith.constant 0 : i32
        %dma_wait3A_270 = tpu.memref_slice %arg12[%dma_wait3A_257, %dma_wait3A_268, %dma_wait3A_269] : memref<2x40x64xf32, #tpu.memory_space<vmem>> -> memref<1x40x64xf32, #tpu.memory_space<vmem>>
        %dma_wait3A_271 = tpu.memref_squeeze %dma_wait3A_270 : memref<1x40x64xf32, #tpu.memory_space<vmem>> -> memref<40x64xf32, #tpu.memory_space<vmem>>
        tpu.wait_dma2 semaphore(%arg16 : memref<!tpu.dma_semaphore, #tpu.memory_space<semaphore_mem>>) src(%dma_wait3A_271 : memref<40x64xf32, #tpu.memory_space<vmem>>) dst(%dma_wait3A_267 : memref<40x64xf32, #tpu.memory_space<hbm>>)
        %dma_wait3A_272 = arith.constant 0 : i32
        %dma_wait3A_273 = arith.constant 0 : i32
        %dma_wait3A_274 = arith.constant 0 : i32
        %dma_wait3A_275 = tpu.memref_slice %arg13[%dma_wait3A_272, %dma_wait3A_273, %dma_wait3A_274] : memref<2x40x16xf32, #tpu.memory_space<vmem>> -> memref<1x40x16xf32, #tpu.memory_space<vmem>>
        %dma_wait3A_276 = tpu.memref_squeeze %dma_wait3A_275 : memref<1x40x16xf32, #tpu.memory_space<vmem>> -> memref<40x16xf32, #tpu.memory_space<vmem>>
        %dma_wait3A_277 = arith.constant 0 : i32
        %dma_wait3A_278 = arith.constant 0 : i32
        %dma_wait3A_279 = tpu.memref_slice %arg7[%dma_wait3A_277, %dma_wait3A_278] : memref<320000x16xf32, #tpu.memory_space<hbm>> -> memref<40x16xf32, #tpu.memory_space<hbm>>
        %dma_wait3A_280 = arith.constant 0 : i32
        %dma_wait3A_281 = arith.constant 0 : i32
        %dma_wait3A_282 = tpu.memref_slice %arg7[%dma_wait3A_280, %dma_wait3A_281] : memref<320000x16xf32, #tpu.memory_space<hbm>> -> memref<40x16xf32, #tpu.memory_space<hbm>>
        %dma_wait3A_283 = arith.constant 0 : i32
        %dma_wait3A_284 = arith.constant 0 : i32
        %dma_wait3A_285 = tpu.memref_slice %arg13[%dma_wait3A_272, %dma_wait3A_283, %dma_wait3A_284] : memref<2x40x16xf32, #tpu.memory_space<vmem>> -> memref<1x40x16xf32, #tpu.memory_space<vmem>>
        %dma_wait3A_286 = tpu.memref_squeeze %dma_wait3A_285 : memref<1x40x16xf32, #tpu.memory_space<vmem>> -> memref<40x16xf32, #tpu.memory_space<vmem>>
        tpu.wait_dma2 semaphore(%arg16 : memref<!tpu.dma_semaphore, #tpu.memory_space<semaphore_mem>>) src(%dma_wait3A_286 : memref<40x16xf32, #tpu.memory_space<vmem>>) dst(%dma_wait3A_282 : memref<40x16xf32, #tpu.memory_space<hbm>>)
      } else {
      }
      %dma_wait3A_111 = arith.constant 0 : i32
      %dma_wait3A_112 = arith.constant 0 : i32
      %dma_wait3A_113 = arith.constant 0 : i32
      %dma_wait3A_114 = tpu.memref_slice %arg10[%dma_wait3A_111, %dma_wait3A_112, %dma_wait3A_113] : memref<2x40x128xf32, #tpu.memory_space<vmem>> -> memref<1x40x128xf32, #tpu.memory_space<vmem>>
      %dma_wait3A_115 = tpu.memref_squeeze %dma_wait3A_114 : memref<1x40x128xf32, #tpu.memory_space<vmem>> -> memref<40x128xf32, #tpu.memory_space<vmem>>
      %dma_wait3A_116 = arith.constant 0 : i32
      %dma_wait3A_117 = arith.constant 0 : i32
      %dma_wait3A_118 = tpu.memref_slice %arg2[%dma_wait3A_116, %dma_wait3A_117] : memref<10000x128xf32, #tpu.memory_space<hbm>> -> memref<40x128xf32, #tpu.memory_space<hbm>>
      %dma_wait3A_119 = arith.constant 0 : i32
      %dma_wait3A_120 = arith.constant 0 : i32
      %dma_wait3A_121 = tpu.memref_slice %arg10[%dma_wait3A_111, %dma_wait3A_119, %dma_wait3A_120] : memref<2x40x128xf32, #tpu.memory_space<vmem>> -> memref<1x40x128xf32, #tpu.memory_space<vmem>>
      %dma_wait3A_122 = tpu.memref_squeeze %dma_wait3A_121 : memref<1x40x128xf32, #tpu.memory_space<vmem>> -> memref<40x128xf32, #tpu.memory_space<vmem>>
      %dma_wait3A_123 = arith.constant 0 : i32
      %dma_wait3A_124 = arith.constant 0 : i32
      %dma_wait3A_125 = tpu.memref_slice %arg2[%dma_wait3A_123, %dma_wait3A_124] : memref<10000x128xf32, #tpu.memory_space<hbm>> -> memref<40x128xf32, #tpu.memory_space<hbm>>
      tpu.wait_dma2 semaphore(%arg14 : memref<!tpu.dma_semaphore, #tpu.memory_space<semaphore_mem>>) src(%dma_wait3A_125 : memref<40x128xf32, #tpu.memory_space<hbm>>) dst(%dma_wait3A_122 : memref<40x128xf32, #tpu.memory_space<vmem>>)
      %dma_wait3A_126 = arith.constant 0 : i32
      %dma_wait3A_127 = arith.constant 0 : i32
      %dma_wait3A_128 = arith.constant 0 : i32
      %dma_wait3A_129 = tpu.memref_slice %arg11[%dma_wait3A_126, %dma_wait3A_127, %dma_wait3A_128] : memref<2x40x128xf32, #tpu.memory_space<vmem>> -> memref<1x40x128xf32, #tpu.memory_space<vmem>>
      %dma_wait3A_130 = tpu.memref_squeeze %dma_wait3A_129 : memref<1x40x128xf32, #tpu.memory_space<vmem>> -> memref<40x128xf32, #tpu.memory_space<vmem>>
      %dma_wait3A_131 = arith.constant 0 : i32
      %dma_wait3A_132 = arith.constant 0 : i32
      %dma_wait3A_133 = tpu.memref_slice %arg3[%dma_wait3A_131, %dma_wait3A_132] : memref<10000x128xf32, #tpu.memory_space<hbm>> -> memref<40x128xf32, #tpu.memory_space<hbm>>
      %dma_wait3A_134 = arith.constant 0 : i32
      %dma_wait3A_135 = arith.constant 0 : i32
      %dma_wait3A_136 = tpu.memref_slice %arg11[%dma_wait3A_126, %dma_wait3A_134, %dma_wait3A_135] : memref<2x40x128xf32, #tpu.memory_space<vmem>> -> memref<1x40x128xf32, #tpu.memory_space<vmem>>
      %dma_wait3A_137 = tpu.memref_squeeze %dma_wait3A_136 : memref<1x40x128xf32, #tpu.memory_space<vmem>> -> memref<40x128xf32, #tpu.memory_space<vmem>>
      %dma_wait3A_138 = arith.constant 0 : i32
      %dma_wait3A_139 = arith.constant 0 : i32
      %dma_wait3A_140 = tpu.memref_slice %arg3[%dma_wait3A_138, %dma_wait3A_139] : memref<10000x128xf32, #tpu.memory_space<hbm>> -> memref<40x128xf32, #tpu.memory_space<hbm>>
      tpu.wait_dma2 semaphore(%arg14 : memref<!tpu.dma_semaphore, #tpu.memory_space<semaphore_mem>>) src(%dma_wait3A_140 : memref<40x128xf32, #tpu.memory_space<hbm>>) dst(%dma_wait3A_137 : memref<40x128xf32, #tpu.memory_space<vmem>>)
      %scan3A_141 = arith.constant 0 : i32
      %scan3A_142 = arith.constant 0 : i32
      %scan3A_143 = arith.constant 40 : i32
      %scan3A_144 = arith.addi %scan3A_142, %scan3A_143 : i32
      %scan3A_145 = arith.constant 2 : i32
      scf.for %scan3A_257 = %scan3A_142 to %scan3A_144 step %scan3A_145  : i32 {
        %get3A = arith.constant 0 : i32
        %get3A_258 = arith.index_cast %get3A : i32 to index
        %get3A_259 = arith.index_cast %scan3A_257 : i32 to index
        %get3A_260 = arith.constant 0 : index
        %get3A_261 = tpu.vector_load %arg10[%get3A_258, %get3A_259, %get3A_260] {strides = array<i32>} : memref<2x40x128xf32, #tpu.memory_space<vmem>>, vector<16xf32>,
        %bitcast3A = vector.bitcast %get3A_261 : vector<16xf32> to vector<32xbf16>
        %get3A_262 = arith.constant 0 : i32
        %get3A_263 = arith.index_cast %get3A_262 : i32 to index
        %get3A_264 = arith.index_cast %scan3A_257 : i32 to index
        %get3A_265 = arith.constant 0 : index
        %get3A_266 = tpu.vector_load %arg11[%get3A_263, %get3A_264, %get3A_265] {strides = array<i32>} : memref<2x40x128xf32, #tpu.memory_space<vmem>>, vector<16xf32>,
        %bitcast3A_267 = vector.bitcast %get3A_266 : vector<16xf32> to vector<32xbf16>
        %add3A_268 = arith.addf %bitcast3A, %bitcast3A_267 : vector<32xbf16>
        %bitcast3A_269 = vector.bitcast %add3A_268 : vector<32xbf16> to vector<16xf32>
        %swap3A = arith.constant 0 : i32
        %swap3A_270 = arith.index_cast %swap3A : i32 to index
        %swap3A_271 = arith.index_cast %scan3A_257 : i32 to index
        %swap3A_272 = arith.constant 0 : index
        %swap3A_273 = tpu.vector_load %arg12[%swap3A_270, %swap3A_271, %swap3A_272] {strides = array<i32>} : memref<2x40x64xf32, #tpu.memory_space<vmem>>, vector<16xf32>,
        tpu.vector_store %arg12[%swap3A_270, %swap3A_271, %swap3A_272], %bitcast3A_269 {strides = array<i32>} : memref<2x40x64xf32, #tpu.memory_space<vmem>>, vector<16xf32>,
        %get3A_274 = arith.constant 0 : i32
        %get3A_275 = arith.index_cast %get3A_274 : i32 to index
        %get3A_276 = arith.index_cast %scan3A_257 : i32 to index
        %get3A_277 = arith.constant 16 : index
        %get3A_278 = tpu.vector_load %arg10[%get3A_275, %get3A_276, %get3A_277] {strides = array<i32>} : memref<2x40x128xf32, #tpu.memory_space<vmem>>, vector<16xf32>,
        %bitcast3A_279 = vector.bitcast %get3A_278 : vector<16xf32> to vector<32xbf16>
        %get3A_280 = arith.constant 0 : i32
        %get3A_281 = arith.index_cast %get3A_280 : i32 to index
        %get3A_282 = arith.index_cast %scan3A_257 : i32 to index
        %get3A_283 = arith.constant 16 : index
        %get3A_284 = tpu.vector_load %arg11[%get3A_281, %get3A_282, %get3A_283] {strides = array<i32>} : memref<2x40x128xf32, #tpu.memory_space<vmem>>, vector<16xf32>,
        %bitcast3A_285 = vector.bitcast %get3A_284 : vector<16xf32> to vector<32xbf16>
        %add3A_286 = arith.addf %bitcast3A_279, %bitcast3A_285 : vector<32xbf16>
        %bitcast3A_287 = vector.bitcast %add3A_286 : vector<32xbf16> to vector<16xf32>
        %swap3A_288 = arith.constant 0 : i32
        %swap3A_289 = arith.index_cast %swap3A_288 : i32 to index
        %swap3A_290 = arith.index_cast %scan3A_257 : i32 to index
        %swap3A_291 = arith.constant 16 : index
        %swap3A_292 = tpu.vector_load %arg12[%swap3A_289, %swap3A_290, %swap3A_291] {strides = array<i32>} : memref<2x40x64xf32, #tpu.memory_space<vmem>>, vector<16xf32>,
        tpu.vector_store %arg12[%swap3A_289, %swap3A_290, %swap3A_291], %bitcast3A_287 {strides = array<i32>} : memref<2x40x64xf32, #tpu.memory_space<vmem>>, vector<16xf32>,
        %get3A_293 = arith.constant 0 : i32
        %get3A_294 = arith.index_cast %get3A_293 : i32 to index
        %get3A_295 = arith.index_cast %scan3A_257 : i32 to index
        %get3A_296 = arith.constant 32 : index
        %get3A_297 = tpu.vector_load %arg10[%get3A_294, %get3A_295, %get3A_296] {strides = array<i32>} : memref<2x40x128xf32, #tpu.memory_space<vmem>>, vector<16xf32>,
        %bitcast3A_298 = vector.bitcast %get3A_297 : vector<16xf32> to vector<32xbf16>
        %get3A_299 = arith.constant 0 : i32
        %get3A_300 = arith.index_cast %get3A_299 : i32 to index
        %get3A_301 = arith.index_cast %scan3A_257 : i32 to index
        %get3A_302 = arith.constant 32 : index
        %get3A_303 = tpu.vector_load %arg11[%get3A_300, %get3A_301, %get3A_302] {strides = array<i32>} : memref<2x40x128xf32, #tpu.memory_space<vmem>>, vector<16xf32>,
        %bitcast3A_304 = vector.bitcast %get3A_303 : vector<16xf32> to vector<32xbf16>
        %add3A_305 = arith.addf %bitcast3A_298, %bitcast3A_304 : vector<32xbf16>
        %bitcast3A_306 = vector.bitcast %add3A_305 : vector<32xbf16> to vector<16xf32>
        %swap3A_307 = arith.constant 0 : i32
        %swap3A_308 = arith.index_cast %swap3A_307 : i32 to index
        %swap3A_309 = arith.index_cast %scan3A_257 : i32 to index
        %swap3A_310 = arith.constant 32 : index
        %swap3A_311 = tpu.vector_load %arg12[%swap3A_308, %swap3A_309, %swap3A_310] {strides = array<i32>} : memref<2x40x64xf32, #tpu.memory_space<vmem>>, vector<16xf32>,
        tpu.vector_store %arg12[%swap3A_308, %swap3A_309, %swap3A_310], %bitcast3A_306 {strides = array<i32>} : memref<2x40x64xf32, #tpu.memory_space<vmem>>, vector<16xf32>,
        %get3A_312 = arith.constant 0 : i32
        %get3A_313 = arith.index_cast %get3A_312 : i32 to index
        %get3A_314 = arith.index_cast %scan3A_257 : i32 to index
        %get3A_315 = arith.constant 48 : index
        %get3A_316 = tpu.vector_load %arg10[%get3A_313, %get3A_314, %get3A_315] {strides = array<i32>} : memref<2x40x128xf32, #tpu.memory_space<vmem>>, vector<16xf32>,
        %bitcast3A_317 = vector.bitcast %get3A_316 : vector<16xf32> to vector<32xbf16>
        %get3A_318 = arith.constant 0 : i32
        %get3A_319 = arith.index_cast %get3A_318 : i32 to index
        %get3A_320 = arith.index_cast %scan3A_257 : i32 to index
        %get3A_321 = arith.constant 48 : index
        %get3A_322 = tpu.vector_load %arg11[%get3A_319, %get3A_320, %get3A_321] {strides = array<i32>} : memref<2x40x128xf32, #tpu.memory_space<vmem>>, vector<16xf32>,
        %bitcast3A_323 = vector.bitcast %get3A_322 : vector<16xf32> to vector<32xbf16>
        %add3A_324 = arith.addf %bitcast3A_317, %bitcast3A_323 : vector<32xbf16>
        %bitcast3A_325 = vector.bitcast %add3A_324 : vector<32xbf16> to vector<16xf32>
        %swap3A_326 = arith.constant 0 : i32
        %swap3A_327 = arith.index_cast %swap3A_326 : i32 to index
        %swap3A_328 = arith.index_cast %scan3A_257 : i32 to index
        %swap3A_329 = arith.constant 48 : index
        %swap3A_330 = tpu.vector_load %arg12[%swap3A_327, %swap3A_328, %swap3A_329] {strides = array<i32>} : memref<2x40x64xf32, #tpu.memory_space<vmem>>, vector<16xf32>,
        tpu.vector_store %arg12[%swap3A_327, %swap3A_328, %swap3A_329], %bitcast3A_325 {strides = array<i32>} : memref<2x40x64xf32, #tpu.memory_space<vmem>>, vector<16xf32>,
        %broadcast_in_dim3A = arith.constant 0.000000e+00 : f32
        %broadcast_in_dim3A_331 = vector.broadcast %broadcast_in_dim3A : f32 to vector<16xf32>
        %get3A_332 = arith.constant 0 : i32
        %get3A_333 = arith.index_cast %get3A_332 : i32 to index
        %get3A_334 = arith.index_cast %scan3A_257 : i32 to index
        %get3A_335 = arith.constant 64 : index
        %get3A_336 = tpu.vector_load %arg10[%get3A_333, %get3A_334, %get3A_335] {strides = array<i32>} : memref<2x40x128xf32, #tpu.memory_space<vmem>>, vector<16xf32>,
        %bitcast3A_337 = vector.bitcast %get3A_336 : vector<16xf32> to vector<32xbf16>
        %get3A_338 = arith.constant 0 : i32
        %get3A_339 = arith.index_cast %get3A_338 : i32 to index
        %get3A_340 = arith.index_cast %scan3A_257 : i32 to index
        %get3A_341 = arith.constant 64 : index
        %get3A_342 = tpu.vector_load %arg11[%get3A_339, %get3A_340, %get3A_341] {strides = array<i32>} : memref<2x40x128xf32, #tpu.memory_space<vmem>>, vector<16xf32>,
        %bitcast3A_343 = vector.bitcast %get3A_342 : vector<16xf32> to vector<32xbf16>
        %mul3A_344 = arith.mulf %bitcast3A_337, %bitcast3A_343 : vector<32xbf16>
        %unpack3A = tpu.unpack_subelements %mul3A_344, 0 {pack_format = #tpu.pack_format<interleaved>} : vector<32xbf16> -> vector<16xf32>
        %unpack3A_345 = tpu.unpack_subelements %mul3A_344, 1 {pack_format = #tpu.pack_format<interleaved>} : vector<32xbf16> -> vector<16xf32>
        %add3A_346 = arith.addf %broadcast_in_dim3A_331, %unpack3A : vector<16xf32>
        %add3A_347 = arith.addf %add3A_346, %unpack3A_345 : vector<16xf32>
        %get3A_348 = arith.constant 0 : i32
        %get3A_349 = arith.index_cast %get3A_348 : i32 to index
        %get3A_350 = arith.index_cast %scan3A_257 : i32 to index
        %get3A_351 = arith.constant 80 : index
        %get3A_352 = tpu.vector_load %arg10[%get3A_349, %get3A_350, %get3A_351] {strides = array<i32>} : memref<2x40x128xf32, #tpu.memory_space<vmem>>, vector<16xf32>,
        %bitcast3A_353 = vector.bitcast %get3A_352 : vector<16xf32> to vector<32xbf16>
        %get3A_354 = arith.constant 0 : i32
        %get3A_355 = arith.index_cast %get3A_354 : i32 to index
        %get3A_356 = arith.index_cast %scan3A_257 : i32 to index
        %get3A_357 = arith.constant 80 : index
        %get3A_358 = tpu.vector_load %arg11[%get3A_355, %get3A_356, %get3A_357] {strides = array<i32>} : memref<2x40x128xf32, #tpu.memory_space<vmem>>, vector<16xf32>,
        %bitcast3A_359 = vector.bitcast %get3A_358 : vector<16xf32> to vector<32xbf16>
        %mul3A_360 = arith.mulf %bitcast3A_353, %bitcast3A_359 : vector<32xbf16>
        %unpack3A_361 = tpu.unpack_subelements %mul3A_360, 0 {pack_format = #tpu.pack_format<interleaved>} : vector<32xbf16> -> vector<16xf32>
        %unpack3A_362 = tpu.unpack_subelements %mul3A_360, 1 {pack_format = #tpu.pack_format<interleaved>} : vector<32xbf16> -> vector<16xf32>
        %add3A_363 = arith.addf %add3A_347, %unpack3A_361 : vector<16xf32>
        %add3A_364 = arith.addf %add3A_363, %unpack3A_362 : vector<16xf32>
        %get3A_365 = arith.constant 0 : i32
        %get3A_366 = arith.index_cast %get3A_365 : i32 to index
        %get3A_367 = arith.index_cast %scan3A_257 : i32 to index
        %get3A_368 = arith.constant 96 : index
        %get3A_369 = tpu.vector_load %arg10[%get3A_366, %get3A_367, %get3A_368] {strides = array<i32>} : memref<2x40x128xf32, #tpu.memory_space<vmem>>, vector<16xf32>,
        %bitcast3A_370 = vector.bitcast %get3A_369 : vector<16xf32> to vector<32xbf16>
        %get3A_371 = arith.constant 0 : i32
        %get3A_372 = arith.index_cast %get3A_371 : i32 to index
        %get3A_373 = arith.index_cast %scan3A_257 : i32 to index
        %get3A_374 = arith.constant 96 : index
        %get3A_375 = tpu.vector_load %arg11[%get3A_372, %get3A_373, %get3A_374] {strides = array<i32>} : memref<2x40x128xf32, #tpu.memory_space<vmem>>, vector<16xf32>,
        %bitcast3A_376 = vector.bitcast %get3A_375 : vector<16xf32> to vector<32xbf16>
        %mul3A_377 = arith.mulf %bitcast3A_370, %bitcast3A_376 : vector<32xbf16>
        %unpack3A_378 = tpu.unpack_subelements %mul3A_377, 0 {pack_format = #tpu.pack_format<interleaved>} : vector<32xbf16> -> vector<16xf32>
        %unpack3A_379 = tpu.unpack_subelements %mul3A_377, 1 {pack_format = #tpu.pack_format<interleaved>} : vector<32xbf16> -> vector<16xf32>
        %add3A_380 = arith.addf %add3A_364, %unpack3A_378 : vector<16xf32>
        %add3A_381 = arith.addf %add3A_380, %unpack3A_379 : vector<16xf32>
        %get3A_382 = arith.constant 0 : i32
        %get3A_383 = arith.index_cast %get3A_382 : i32 to index
        %get3A_384 = arith.index_cast %scan3A_257 : i32 to index
        %get3A_385 = arith.constant 112 : index
        %get3A_386 = tpu.vector_load %arg10[%get3A_383, %get3A_384, %get3A_385] {strides = array<i32>} : memref<2x40x128xf32, #tpu.memory_space<vmem>>, vector<16xf32>,
        %bitcast3A_387 = vector.bitcast %get3A_386 : vector<16xf32> to vector<32xbf16>
        %get3A_388 = arith.constant 0 : i32
        %get3A_389 = arith.index_cast %get3A_388 : i32 to index
        %get3A_390 = arith.index_cast %scan3A_257 : i32 to index
        %get3A_391 = arith.constant 112 : index
        %get3A_392 = tpu.vector_load %arg11[%get3A_389, %get3A_390, %get3A_391] {strides = array<i32>} : memref<2x40x128xf32, #tpu.memory_space<vmem>>, vector<16xf32>,
        %bitcast3A_393 = vector.bitcast %get3A_392 : vector<16xf32> to vector<32xbf16>
        %mul3A_394 = arith.mulf %bitcast3A_387, %bitcast3A_393 : vector<32xbf16>
        %unpack3A_395 = tpu.unpack_subelements %mul3A_394, 0 {pack_format = #tpu.pack_format<interleaved>} : vector<32xbf16> -> vector<16xf32>
        %unpack3A_396 = tpu.unpack_subelements %mul3A_394, 1 {pack_format = #tpu.pack_format<interleaved>} : vector<32xbf16> -> vector<16xf32>
        %add3A_397 = arith.addf %add3A_381, %unpack3A_395 : vector<16xf32>
        %add3A_398 = arith.addf %add3A_397, %unpack3A_396 : vector<16xf32>
        %swap3A_399 = arith.constant 0 : i32
        %swap3A_400 = arith.index_cast %swap3A_399 : i32 to index
        %swap3A_401 = arith.index_cast %scan3A_257 : i32 to index
        %swap3A_402 = arith.constant 0 : index
        %swap3A_403 = tpu.vector_load %arg13[%swap3A_400, %swap3A_401, %swap3A_402] {strides = array<i32>} : memref<2x40x16xf32, #tpu.memory_space<vmem>>, vector<16xf32>,
        tpu.vector_store %arg13[%swap3A_400, %swap3A_401, %swap3A_402], %add3A_398 {strides = array<i32>} : memref<2x40x16xf32, #tpu.memory_space<vmem>>, vector<16xf32>,
        %scan3A_404 = arith.constant 1 : i32
        %scan3A_405 = arith.addi %scan3A_257, %scan3A_404 : i32
        %get3A_406 = arith.constant 0 : i32
        %get3A_407 = arith.index_cast %get3A_406 : i32 to index
        %get3A_408 = arith.index_cast %scan3A_405 : i32 to index
        %get3A_409 = arith.constant 0 : index
        %get3A_410 = tpu.vector_load %arg10[%get3A_407, %get3A_408, %get3A_409] {strides = array<i32>} : memref<2x40x128xf32, #tpu.memory_space<vmem>>, vector<16xf32>,
        %bitcast3A_411 = vector.bitcast %get3A_410 : vector<16xf32> to vector<32xbf16>
        %get3A_412 = arith.constant 0 : i32
        %get3A_413 = arith.index_cast %get3A_412 : i32 to index
        %get3A_414 = arith.index_cast %scan3A_405 : i32 to index
        %get3A_415 = arith.constant 0 : index
        %get3A_416 = tpu.vector_load %arg11[%get3A_413, %get3A_414, %get3A_415] {strides = array<i32>} : memref<2x40x128xf32, #tpu.memory_space<vmem>>, vector<16xf32>,
        %bitcast3A_417 = vector.bitcast %get3A_416 : vector<16xf32> to vector<32xbf16>
        %add3A_418 = arith.addf %bitcast3A_411, %bitcast3A_417 : vector<32xbf16>
        %bitcast3A_419 = vector.bitcast %add3A_418 : vector<32xbf16> to vector<16xf32>
        %swap3A_420 = arith.constant 0 : i32
        %swap3A_421 = arith.index_cast %swap3A_420 : i32 to index
        %swap3A_422 = arith.index_cast %scan3A_405 : i32 to index
        %swap3A_423 = arith.constant 0 : index
        %swap3A_424 = tpu.vector_load %arg12[%swap3A_421, %swap3A_422, %swap3A_423] {strides = array<i32>} : memref<2x40x64xf32, #tpu.memory_space<vmem>>, vector<16xf32>,
        tpu.vector_store %arg12[%swap3A_421, %swap3A_422, %swap3A_423], %bitcast3A_419 {strides = array<i32>} : memref<2x40x64xf32, #tpu.memory_space<vmem>>, vector<16xf32>,
        %get3A_425 = arith.constant 0 : i32
        %get3A_426 = arith.index_cast %get3A_425 : i32 to index
        %get3A_427 = arith.index_cast %scan3A_405 : i32 to index
        %get3A_428 = arith.constant 16 : index
        %get3A_429 = tpu.vector_load %arg10[%get3A_426, %get3A_427, %get3A_428] {strides = array<i32>} : memref<2x40x128xf32, #tpu.memory_space<vmem>>, vector<16xf32>,
        %bitcast3A_430 = vector.bitcast %get3A_429 : vector<16xf32> to vector<32xbf16>
        %get3A_431 = arith.constant 0 : i32
        %get3A_432 = arith.index_cast %get3A_431 : i32 to index
        %get3A_433 = arith.index_cast %scan3A_405 : i32 to index
        %get3A_434 = arith.constant 16 : index
        %get3A_435 = tpu.vector_load %arg11[%get3A_432, %get3A_433, %get3A_434] {strides = array<i32>} : memref<2x40x128xf32, #tpu.memory_space<vmem>>, vector<16xf32>,
        %bitcast3A_436 = vector.bitcast %get3A_435 : vector<16xf32> to vector<32xbf16>
        %add3A_437 = arith.addf %bitcast3A_430, %bitcast3A_436 : vector<32xbf16>
        %bitcast3A_438 = vector.bitcast %add3A_437 : vector<32xbf16> to vector<16xf32>
        %swap3A_439 = arith.constant 0 : i32
        %swap3A_440 = arith.index_cast %swap3A_439 : i32 to index
        %swap3A_441 = arith.index_cast %scan3A_405 : i32 to index
        %swap3A_442 = arith.constant 16 : index
        %swap3A_443 = tpu.vector_load %arg12[%swap3A_440, %swap3A_441, %swap3A_442] {strides = array<i32>} : memref<2x40x64xf32, #tpu.memory_space<vmem>>, vector<16xf32>,
        tpu.vector_store %arg12[%swap3A_440, %swap3A_441, %swap3A_442], %bitcast3A_438 {strides = array<i32>} : memref<2x40x64xf32, #tpu.memory_space<vmem>>, vector<16xf32>,
        %get3A_444 = arith.constant 0 : i32
        %get3A_445 = arith.index_cast %get3A_444 : i32 to index
        %get3A_446 = arith.index_cast %scan3A_405 : i32 to index
        %get3A_447 = arith.constant 32 : index
        %get3A_448 = tpu.vector_load %arg10[%get3A_445, %get3A_446, %get3A_447] {strides = array<i32>} : memref<2x40x128xf32, #tpu.memory_space<vmem>>, vector<16xf32>,
        %bitcast3A_449 = vector.bitcast %get3A_448 : vector<16xf32> to vector<32xbf16>
        %get3A_450 = arith.constant 0 : i32
        %get3A_451 = arith.index_cast %get3A_450 : i32 to index
        %get3A_452 = arith.index_cast %scan3A_405 : i32 to index
        %get3A_453 = arith.constant 32 : index
        %get3A_454 = tpu.vector_load %arg11[%get3A_451, %get3A_452, %get3A_453] {strides = array<i32>} : memref<2x40x128xf32, #tpu.memory_space<vmem>>, vector<16xf32>,
        %bitcast3A_455 = vector.bitcast %get3A_454 : vector<16xf32> to vector<32xbf16>
        %add3A_456 = arith.addf %bitcast3A_449, %bitcast3A_455 : vector<32xbf16>
        %bitcast3A_457 = vector.bitcast %add3A_456 : vector<32xbf16> to vector<16xf32>
        %swap3A_458 = arith.constant 0 : i32
        %swap3A_459 = arith.index_cast %swap3A_458 : i32 to index
        %swap3A_460 = arith.index_cast %scan3A_405 : i32 to index
        %swap3A_461 = arith.constant 32 : index
        %swap3A_462 = tpu.vector_load %arg12[%swap3A_459, %swap3A_460, %swap3A_461] {strides = array<i32>} : memref<2x40x64xf32, #tpu.memory_space<vmem>>, vector<16xf32>,
        tpu.vector_store %arg12[%swap3A_459, %swap3A_460, %swap3A_461], %bitcast3A_457 {strides = array<i32>} : memref<2x40x64xf32, #tpu.memory_space<vmem>>, vector<16xf32>,
        %get3A_463 = arith.constant 0 : i32
        %get3A_464 = arith.index_cast %get3A_463 : i32 to index
        %get3A_465 = arith.index_cast %scan3A_405 : i32 to index
        %get3A_466 = arith.constant 48 : index
        %get3A_467 = tpu.vector_load %arg10[%get3A_464, %get3A_465, %get3A_466] {strides = array<i32>} : memref<2x40x128xf32, #tpu.memory_space<vmem>>, vector<16xf32>,
        %bitcast3A_468 = vector.bitcast %get3A_467 : vector<16xf32> to vector<32xbf16>
        %get3A_469 = arith.constant 0 : i32
        %get3A_470 = arith.index_cast %get3A_469 : i32 to index
        %get3A_471 = arith.index_cast %scan3A_405 : i32 to index
        %get3A_472 = arith.constant 48 : index
        %get3A_473 = tpu.vector_load %arg11[%get3A_470, %get3A_471, %get3A_472] {strides = array<i32>} : memref<2x40x128xf32, #tpu.memory_space<vmem>>, vector<16xf32>,
        %bitcast3A_474 = vector.bitcast %get3A_473 : vector<16xf32> to vector<32xbf16>
        %add3A_475 = arith.addf %bitcast3A_468, %bitcast3A_474 : vector<32xbf16>
        %bitcast3A_476 = vector.bitcast %add3A_475 : vector<32xbf16> to vector<16xf32>
        %swap3A_477 = arith.constant 0 : i32
        %swap3A_478 = arith.index_cast %swap3A_477 : i32 to index
        %swap3A_479 = arith.index_cast %scan3A_405 : i32 to index
        %swap3A_480 = arith.constant 48 : index
        %swap3A_481 = tpu.vector_load %arg12[%swap3A_478, %swap3A_479, %swap3A_480] {strides = array<i32>} : memref<2x40x64xf32, #tpu.memory_space<vmem>>, vector<16xf32>,
        tpu.vector_store %arg12[%swap3A_478, %swap3A_479, %swap3A_480], %bitcast3A_476 {strides = array<i32>} : memref<2x40x64xf32, #tpu.memory_space<vmem>>, vector<16xf32>,
        %broadcast_in_dim3A_482 = arith.constant 0.000000e+00 : f32
        %broadcast_in_dim3A_483 = vector.broadcast %broadcast_in_dim3A_482 : f32 to vector<16xf32>
        %get3A_484 = arith.constant 0 : i32
        %get3A_485 = arith.index_cast %get3A_484 : i32 to index
        %get3A_486 = arith.index_cast %scan3A_405 : i32 to index
        %get3A_487 = arith.constant 64 : index
        %get3A_488 = tpu.vector_load %arg10[%get3A_485, %get3A_486, %get3A_487] {strides = array<i32>} : memref<2x40x128xf32, #tpu.memory_space<vmem>>, vector<16xf32>,
        %bitcast3A_489 = vector.bitcast %get3A_488 : vector<16xf32> to vector<32xbf16>
        %get3A_490 = arith.constant 0 : i32
        %get3A_491 = arith.index_cast %get3A_490 : i32 to index
        %get3A_492 = arith.index_cast %scan3A_405 : i32 to index
        %get3A_493 = arith.constant 64 : index
        %get3A_494 = tpu.vector_load %arg11[%get3A_491, %get3A_492, %get3A_493] {strides = array<i32>} : memref<2x40x128xf32, #tpu.memory_space<vmem>>, vector<16xf32>,
        %bitcast3A_495 = vector.bitcast %get3A_494 : vector<16xf32> to vector<32xbf16>
        %mul3A_496 = arith.mulf %bitcast3A_489, %bitcast3A_495 : vector<32xbf16>
        %unpack3A_497 = tpu.unpack_subelements %mul3A_496, 0 {pack_format = #tpu.pack_format<interleaved>} : vector<32xbf16> -> vector<16xf32>
        %unpack3A_498 = tpu.unpack_subelements %mul3A_496, 1 {pack_format = #tpu.pack_format<interleaved>} : vector<32xbf16> -> vector<16xf32>
        %add3A_499 = arith.addf %broadcast_in_dim3A_483, %unpack3A_497 : vector<16xf32>
        %add3A_500 = arith.addf %add3A_499, %unpack3A_498 : vector<16xf32>
        %get3A_501 = arith.constant 0 : i32
        %get3A_502 = arith.index_cast %get3A_501 : i32 to index
        %get3A_503 = arith.index_cast %scan3A_405 : i32 to index
        %get3A_504 = arith.constant 80 : index
        %get3A_505 = tpu.vector_load %arg10[%get3A_502, %get3A_503, %get3A_504] {strides = array<i32>} : memref<2x40x128xf32, #tpu.memory_space<vmem>>, vector<16xf32>,
        %bitcast3A_506 = vector.bitcast %get3A_505 : vector<16xf32> to vector<32xbf16>
        %get3A_507 = arith.constant 0 : i32
        %get3A_508 = arith.index_cast %get3A_507 : i32 to index
        %get3A_509 = arith.index_cast %scan3A_405 : i32 to index
        %get3A_510 = arith.constant 80 : index
        %get3A_511 = tpu.vector_load %arg11[%get3A_508, %get3A_509, %get3A_510] {strides = array<i32>} : memref<2x40x128xf32, #tpu.memory_space<vmem>>, vector<16xf32>,
        %bitcast3A_512 = vector.bitcast %get3A_511 : vector<16xf32> to vector<32xbf16>
        %mul3A_513 = arith.mulf %bitcast3A_506, %bitcast3A_512 : vector<32xbf16>
        %unpack3A_514 = tpu.unpack_subelements %mul3A_513, 0 {pack_format = #tpu.pack_format<interleaved>} : vector<32xbf16> -> vector<16xf32>
        %unpack3A_515 = tpu.unpack_subelements %mul3A_513, 1 {pack_format = #tpu.pack_format<interleaved>} : vector<32xbf16> -> vector<16xf32>
        %add3A_516 = arith.addf %add3A_500, %unpack3A_514 : vector<16xf32>
        %add3A_517 = arith.addf %add3A_516, %unpack3A_515 : vector<16xf32>
        %get3A_518 = arith.constant 0 : i32
        %get3A_519 = arith.index_cast %get3A_518 : i32 to index
        %get3A_520 = arith.index_cast %scan3A_405 : i32 to index
        %get3A_521 = arith.constant 96 : index
        %get3A_522 = tpu.vector_load %arg10[%get3A_519, %get3A_520, %get3A_521] {strides = array<i32>} : memref<2x40x128xf32, #tpu.memory_space<vmem>>, vector<16xf32>,
        %bitcast3A_523 = vector.bitcast %get3A_522 : vector<16xf32> to vector<32xbf16>
        %get3A_524 = arith.constant 0 : i32
        %get3A_525 = arith.index_cast %get3A_524 : i32 to index
        %get3A_526 = arith.index_cast %scan3A_405 : i32 to index
        %get3A_527 = arith.constant 96 : index
        %get3A_528 = tpu.vector_load %arg11[%get3A_525, %get3A_526, %get3A_527] {strides = array<i32>} : memref<2x40x128xf32, #tpu.memory_space<vmem>>, vector<16xf32>,
        %bitcast3A_529 = vector.bitcast %get3A_528 : vector<16xf32> to vector<32xbf16>
        %mul3A_530 = arith.mulf %bitcast3A_523, %bitcast3A_529 : vector<32xbf16>
        %unpack3A_531 = tpu.unpack_subelements %mul3A_530, 0 {pack_format = #tpu.pack_format<interleaved>} : vector<32xbf16> -> vector<16xf32>
        %unpack3A_532 = tpu.unpack_subelements %mul3A_530, 1 {pack_format = #tpu.pack_format<interleaved>} : vector<32xbf16> -> vector<16xf32>
        %add3A_533 = arith.addf %add3A_517, %unpack3A_531 : vector<16xf32>
        %add3A_534 = arith.addf %add3A_533, %unpack3A_532 : vector<16xf32>
        %get3A_535 = arith.constant 0 : i32
        %get3A_536 = arith.index_cast %get3A_535 : i32 to index
        %get3A_537 = arith.index_cast %scan3A_405 : i32 to index
        %get3A_538 = arith.constant 112 : index
        %get3A_539 = tpu.vector_load %arg10[%get3A_536, %get3A_537, %get3A_538] {strides = array<i32>} : memref<2x40x128xf32, #tpu.memory_space<vmem>>, vector<16xf32>,
        %bitcast3A_540 = vector.bitcast %get3A_539 : vector<16xf32> to vector<32xbf16>
        %get3A_541 = arith.constant 0 : i32
        %get3A_542 = arith.index_cast %get3A_541 : i32 to index
        %get3A_543 = arith.index_cast %scan3A_405 : i32 to index
        %get3A_544 = arith.constant 112 : index
        %get3A_545 = tpu.vector_load %arg11[%get3A_542, %get3A_543, %get3A_544] {strides = array<i32>} : memref<2x40x128xf32, #tpu.memory_space<vmem>>, vector<16xf32>,
        %bitcast3A_546 = vector.bitcast %get3A_545 : vector<16xf32> to vector<32xbf16>
        %mul3A_547 = arith.mulf %bitcast3A_540, %bitcast3A_546 : vector<32xbf16>
        %unpack3A_548 = tpu.unpack_subelements %mul3A_547, 0 {pack_format = #tpu.pack_format<interleaved>} : vector<32xbf16> -> vector<16xf32>
        %unpack3A_549 = tpu.unpack_subelements %mul3A_547, 1 {pack_format = #tpu.pack_format<interleaved>} : vector<32xbf16> -> vector<16xf32>
        %add3A_550 = arith.addf %add3A_534, %unpack3A_548 : vector<16xf32>
        %add3A_551 = arith.addf %add3A_550, %unpack3A_549 : vector<16xf32>
        %swap3A_552 = arith.constant 0 : i32
        %swap3A_553 = arith.index_cast %swap3A_552 : i32 to index
        %swap3A_554 = arith.index_cast %scan3A_405 : i32 to index
        %swap3A_555 = arith.constant 0 : index
        %swap3A_556 = tpu.vector_load %arg13[%swap3A_553, %swap3A_554, %swap3A_555] {strides = array<i32>} : memref<2x40x16xf32, #tpu.memory_space<vmem>>, vector<16xf32>,
        tpu.vector_store %arg13[%swap3A_553, %swap3A_554, %swap3A_555], %add3A_551 {strides = array<i32>} : memref<2x40x16xf32, #tpu.memory_space<vmem>>, vector<16xf32>,
      }
      %scan3A_146 = arith.constant 40 : i32
      %mul3A_147 = arith.constant 40 : i32
      %mul3A_148 = arith.muli %mul3A_108, %mul3A_147 : i32
      %add3A_149 = arith.addi %mul3A_2, %mul3A_148 : i32
      %dma_start3A_150 = arith.constant 0 : i32
      %dma_start3A_151 = arith.constant 0 : i32
      %dma_start3A_152 = arith.constant 0 : i32
      %dma_start3A_153 = tpu.memref_slice %arg12[%dma_start3A_150, %dma_start3A_151, %dma_start3A_152] : memref<2x40x64xf32, #tpu.memory_space<vmem>> -> memref<1x40x64xf32, #tpu.memory_space<vmem>>
      %dma_start3A_154 = tpu.memref_squeeze %dma_start3A_153 : memref<1x40x64xf32, #tpu.memory_space<vmem>> -> memref<40x64xf32, #tpu.memory_space<vmem>>
      %dma_start3A_155 = arith.constant 0 : i32
      %dma_start3A_156 = tpu.memref_slice %arg6[%add3A_149, %dma_start3A_155] : memref<320000x64xf32, #tpu.memory_space<hbm>> -> memref<40x64xf32, #tpu.memory_space<hbm>>
      %dma_start3A_157 = arith.constant 0 : i32
      %dma_start3A_158 = tpu.memref_slice %arg6[%add3A_149, %dma_start3A_157] : memref<320000x64xf32, #tpu.memory_space<hbm>> -> memref<40x64xf32, #tpu.memory_space<hbm>>
      %dma_start3A_159 = arith.constant 0 : i32
      %dma_start3A_160 = arith.constant 0 : i32
      %dma_start3A_161 = tpu.memref_slice %arg12[%dma_start3A_150, %dma_start3A_159, %dma_start3A_160] : memref<2x40x64xf32, #tpu.memory_space<vmem>> -> memref<1x40x64xf32, #tpu.memory_space<vmem>>
      %dma_start3A_162 = tpu.memref_squeeze %dma_start3A_161 : memref<1x40x64xf32, #tpu.memory_space<vmem>> -> memref<40x64xf32, #tpu.memory_space<vmem>>
      tpu.enqueue_dma source(%dma_start3A_162 : memref<40x64xf32, #tpu.memory_space<vmem>>) target(%dma_start3A_158 : memref<40x64xf32, #tpu.memory_space<hbm>>) target_semaphore(%arg16 : memref<!tpu.dma_semaphore, #tpu.memory_space<semaphore_mem>>)
      %dma_start3A_163 = arith.constant 0 : i32
      %dma_start3A_164 = arith.constant 0 : i32
      %dma_start3A_165 = arith.constant 0 : i32
      %dma_start3A_166 = tpu.memref_slice %arg13[%dma_start3A_163, %dma_start3A_164, %dma_start3A_165] : memref<2x40x16xf32, #tpu.memory_space<vmem>> -> memref<1x40x16xf32, #tpu.memory_space<vmem>>
      %dma_start3A_167 = tpu.memref_squeeze %dma_start3A_166 : memref<1x40x16xf32, #tpu.memory_space<vmem>> -> memref<40x16xf32, #tpu.memory_space<vmem>>
      %dma_start3A_168 = arith.constant 0 : i32
      %dma_start3A_169 = tpu.memref_slice %arg7[%add3A_149, %dma_start3A_168] : memref<320000x16xf32, #tpu.memory_space<hbm>> -> memref<40x16xf32, #tpu.memory_space<hbm>>
      %dma_start3A_170 = arith.constant 0 : i32
      %dma_start3A_171 = tpu.memref_slice %arg7[%add3A_149, %dma_start3A_170] : memref<320000x16xf32, #tpu.memory_space<hbm>> -> memref<40x16xf32, #tpu.memory_space<hbm>>
      %dma_start3A_172 = arith.constant 0 : i32
      %dma_start3A_173 = arith.constant 0 : i32
      %dma_start3A_174 = tpu.memref_slice %arg13[%dma_start3A_163, %dma_start3A_172, %dma_start3A_173] : memref<2x40x16xf32, #tpu.memory_space<vmem>> -> memref<1x40x16xf32, #tpu.memory_space<vmem>>
      %dma_start3A_175 = tpu.memref_squeeze %dma_start3A_174 : memref<1x40x16xf32, #tpu.memory_space<vmem>> -> memref<40x16xf32, #tpu.memory_space<vmem>>
      tpu.enqueue_dma source(%dma_start3A_175 : memref<40x16xf32, #tpu.memory_space<vmem>>) target(%dma_start3A_171 : memref<40x16xf32, #tpu.memory_space<hbm>>) target_semaphore(%arg16 : memref<!tpu.dma_semaphore, #tpu.memory_space<semaphore_mem>>)
      %lt3A = arith.constant 124 : i32
      %lt3A_176 = arith.cmpi slt, %scan3A_106, %lt3A : i32
      %convert_element_type3A_177 = arith.extui %lt3A_176 : i1 to i32
      %cond3A_178 = arith.constant 0 : i32
      %cond3A_179 = arith.cmpi ne, %convert_element_type3A_177, %cond3A_178 : i32
      scf.if %cond3A_179 {
        %add3A_257 = arith.constant 2 : i32
        %add3A_258 = arith.addi %mul3A_108, %add3A_257 : i32
        %mul3A_259 = arith.constant 40 : i32
        %mul3A_260 = arith.muli %add3A_258, %mul3A_259 : i32
        %dma_start3A_261 = arith.constant 0 : i32
        %dma_start3A_262 = arith.constant 0 : i32
        %dma_start3A_263 = arith.constant 0 : i32
        %dma_start3A_264 = tpu.memref_slice %arg10[%dma_start3A_261, %dma_start3A_262, %dma_start3A_263] : memref<2x40x128xf32, #tpu.memory_space<vmem>> -> memref<1x40x128xf32, #tpu.memory_space<vmem>>
        %dma_start3A_265 = tpu.memref_squeeze %dma_start3A_264 : memref<1x40x128xf32, #tpu.memory_space<vmem>> -> memref<40x128xf32, #tpu.memory_space<vmem>>
        %dma_start3A_266 = tpu.memref_slice %arg8[%mul3A_260] : memref<10000xi32, #tpu.memory_space<vmem>> -> memref<40xi32, #tpu.memory_space<vmem>>
        %dma_start3A_267 = arith.constant 0 : i32
        %dma_start3A_268 = arith.constant 0 : i32
        %dma_start3A_269 = tpu.memref_slice %arg2[%dma_start3A_267, %dma_start3A_268] : memref<10000x128xf32, #tpu.memory_space<hbm>> -> memref<10000x128xf32, #tpu.memory_space<hbm>>
        tpu.enqueue_indirect_dma source(%dma_start3A_269 : memref<10000x128xf32, #tpu.memory_space<hbm>>) target(%dma_start3A_265 : memref<40x128xf32, #tpu.memory_space<vmem>>) offsets(%dma_start3A_266 : memref<40xi32, #tpu.memory_space<vmem>>) semaphore(%arg14 : memref<!tpu.dma_semaphore, #tpu.memory_space<semaphore_mem>>)
        %dma_start3A_270 = arith.constant 0 : i32
        %dma_start3A_271 = arith.constant 0 : i32
        %dma_start3A_272 = arith.constant 0 : i32
        %dma_start3A_273 = tpu.memref_slice %arg11[%dma_start3A_270, %dma_start3A_271, %dma_start3A_272] : memref<2x40x128xf32, #tpu.memory_space<vmem>> -> memref<1x40x128xf32, #tpu.memory_space<vmem>>
        %dma_start3A_274 = tpu.memref_squeeze %dma_start3A_273 : memref<1x40x128xf32, #tpu.memory_space<vmem>> -> memref<40x128xf32, #tpu.memory_space<vmem>>
        %dma_start3A_275 = tpu.memref_slice %arg9[%mul3A_260] : memref<10000xi32, #tpu.memory_space<vmem>> -> memref<40xi32, #tpu.memory_space<vmem>>
        %dma_start3A_276 = arith.constant 0 : i32
        %dma_start3A_277 = arith.constant 0 : i32
        %dma_start3A_278 = tpu.memref_slice %arg3[%dma_start3A_276, %dma_start3A_277] : memref<10000x128xf32, #tpu.memory_space<hbm>> -> memref<10000x128xf32, #tpu.memory_space<hbm>>
        tpu.enqueue_indirect_dma source(%dma_start3A_278 : memref<10000x128xf32, #tpu.memory_space<hbm>>) target(%dma_start3A_274 : memref<40x128xf32, #tpu.memory_space<vmem>>) offsets(%dma_start3A_275 : memref<40xi32, #tpu.memory_space<vmem>>) semaphore(%arg14 : memref<!tpu.dma_semaphore, #tpu.memory_space<semaphore_mem>>)
      } else {
      }
      %ge3A_180 = arith.constant 1 : i32
      %ge3A_181 = arith.cmpi sge, %scan3A_106, %ge3A_180 : i32
      %convert_element_type3A_182 = arith.extui %ge3A_181 : i1 to i32
      %cond3A_183 = arith.constant 0 : i32
      %cond3A_184 = arith.cmpi ne, %convert_element_type3A_182, %cond3A_183 : i32
      scf.if %cond3A_184 {
        %dma_wait3A_257 = arith.constant 1 : i32
        %dma_wait3A_258 = arith.constant 0 : i32
        %dma_wait3A_259 = arith.constant 0 : i32
        %dma_wait3A_260 = tpu.memref_slice %arg12[%dma_wait3A_257, %dma_wait3A_258, %dma_wait3A_259] : memref<2x40x64xf32, #tpu.memory_space<vmem>> -> memref<1x40x64xf32, #tpu.memory_space<vmem>>
        %dma_wait3A_261 = tpu.memref_squeeze %dma_wait3A_260 : memref<1x40x64xf32, #tpu.memory_space<vmem>> -> memref<40x64xf32, #tpu.memory_space<vmem>>
        %dma_wait3A_262 = arith.constant 0 : i32
        %dma_wait3A_263 = arith.constant 0 : i32
        %dma_wait3A_264 = tpu.memref_slice %arg6[%dma_wait3A_262, %dma_wait3A_263] : memref<320000x64xf32, #tpu.memory_space<hbm>> -> memref<40x64xf32, #tpu.memory_space<hbm>>
        %dma_wait3A_265 = arith.constant 0 : i32
        %dma_wait3A_266 = arith.constant 0 : i32
        %dma_wait3A_267 = tpu.memref_slice %arg6[%dma_wait3A_265, %dma_wait3A_266] : memref<320000x64xf32, #tpu.memory_space<hbm>> -> memref<40x64xf32, #tpu.memory_space<hbm>>
        %dma_wait3A_268 = arith.constant 0 : i32
        %dma_wait3A_269 = arith.constant 0 : i32
        %dma_wait3A_270 = tpu.memref_slice %arg12[%dma_wait3A_257, %dma_wait3A_268, %dma_wait3A_269] : memref<2x40x64xf32, #tpu.memory_space<vmem>> -> memref<1x40x64xf32, #tpu.memory_space<vmem>>
        %dma_wait3A_271 = tpu.memref_squeeze %dma_wait3A_270 : memref<1x40x64xf32, #tpu.memory_space<vmem>> -> memref<40x64xf32, #tpu.memory_space<vmem>>
        tpu.wait_dma2 semaphore(%arg17 : memref<!tpu.dma_semaphore, #tpu.memory_space<semaphore_mem>>) src(%dma_wait3A_271 : memref<40x64xf32, #tpu.memory_space<vmem>>) dst(%dma_wait3A_267 : memref<40x64xf32, #tpu.memory_space<hbm>>)
        %dma_wait3A_272 = arith.constant 1 : i32
        %dma_wait3A_273 = arith.constant 0 : i32
        %dma_wait3A_274 = arith.constant 0 : i32
        %dma_wait3A_275 = tpu.memref_slice %arg13[%dma_wait3A_272, %dma_wait3A_273, %dma_wait3A_274] : memref<2x40x16xf32, #tpu.memory_space<vmem>> -> memref<1x40x16xf32, #tpu.memory_space<vmem>>
        %dma_wait3A_276 = tpu.memref_squeeze %dma_wait3A_275 : memref<1x40x16xf32, #tpu.memory_space<vmem>> -> memref<40x16xf32, #tpu.memory_space<vmem>>
        %dma_wait3A_277 = arith.constant 0 : i32
        %dma_wait3A_278 = arith.constant 0 : i32
        %dma_wait3A_279 = tpu.memref_slice %arg7[%dma_wait3A_277, %dma_wait3A_278] : memref<320000x16xf32, #tpu.memory_space<hbm>> -> memref<40x16xf32, #tpu.memory_space<hbm>>
        %dma_wait3A_280 = arith.constant 0 : i32
        %dma_wait3A_281 = arith.constant 0 : i32
        %dma_wait3A_282 = tpu.memref_slice %arg7[%dma_wait3A_280, %dma_wait3A_281] : memref<320000x16xf32, #tpu.memory_space<hbm>> -> memref<40x16xf32, #tpu.memory_space<hbm>>
        %dma_wait3A_283 = arith.constant 0 : i32
        %dma_wait3A_284 = arith.constant 0 : i32
        %dma_wait3A_285 = tpu.memref_slice %arg13[%dma_wait3A_272, %dma_wait3A_283, %dma_wait3A_284] : memref<2x40x16xf32, #tpu.memory_space<vmem>> -> memref<1x40x16xf32, #tpu.memory_space<vmem>>
        %dma_wait3A_286 = tpu.memref_squeeze %dma_wait3A_285 : memref<1x40x16xf32, #tpu.memory_space<vmem>> -> memref<40x16xf32, #tpu.memory_space<vmem>>
        tpu.wait_dma2 semaphore(%arg17 : memref<!tpu.dma_semaphore, #tpu.memory_space<semaphore_mem>>) src(%dma_wait3A_286 : memref<40x16xf32, #tpu.memory_space<vmem>>) dst(%dma_wait3A_282 : memref<40x16xf32, #tpu.memory_space<hbm>>)
      } else {
      }
      %dma_wait3A_185 = arith.constant 1 : i32
      %dma_wait3A_186 = arith.constant 0 : i32
      %dma_wait3A_187 = arith.constant 0 : i32
      %dma_wait3A_188 = tpu.memref_slice %arg10[%dma_wait3A_185, %dma_wait3A_186, %dma_wait3A_187] : memref<2x40x128xf32, #tpu.memory_space<vmem>> -> memref<1x40x128xf32, #tpu.memory_space<vmem>>
      %dma_wait3A_189 = tpu.memref_squeeze %dma_wait3A_188 : memref<1x40x128xf32, #tpu.memory_space<vmem>> -> memref<40x128xf32, #tpu.memory_space<vmem>>
      %dma_wait3A_190 = arith.constant 0 : i32
      %dma_wait3A_191 = arith.constant 0 : i32
      %dma_wait3A_192 = tpu.memref_slice %arg2[%dma_wait3A_190, %dma_wait3A_191] : memref<10000x128xf32, #tpu.memory_space<hbm>> -> memref<40x128xf32, #tpu.memory_space<hbm>>
      %dma_wait3A_193 = arith.constant 0 : i32
      %dma_wait3A_194 = arith.constant 0 : i32
      %dma_wait3A_195 = tpu.memref_slice %arg10[%dma_wait3A_185, %dma_wait3A_193, %dma_wait3A_194] : memref<2x40x128xf32, #tpu.memory_space<vmem>> -> memref<1x40x128xf32, #tpu.memory_space<vmem>>
      %dma_wait3A_196 = tpu.memref_squeeze %dma_wait3A_195 : memref<1x40x128xf32, #tpu.memory_space<vmem>> -> memref<40x128xf32, #tpu.memory_space<vmem>>
      %dma_wait3A_197 = arith.constant 0 : i32
      %dma_wait3A_198 = arith.constant 0 : i32
      %dma_wait3A_199 = tpu.memref_slice %arg2[%dma_wait3A_197, %dma_wait3A_198] : memref<10000x128xf32, #tpu.memory_space<hbm>> -> memref<40x128xf32, #tpu.memory_space<hbm>>
      tpu.wait_dma2 semaphore(%arg15 : memref<!tpu.dma_semaphore, #tpu.memory_space<semaphore_mem>>) src(%dma_wait3A_199 : memref<40x128xf32, #tpu.memory_space<hbm>>) dst(%dma_wait3A_196 : memref<40x128xf32, #tpu.memory_space<vmem>>)
      %dma_wait3A_200 = arith.constant 1 : i32
      %dma_wait3A_201 = arith.constant 0 : i32
      %dma_wait3A_202 = arith.constant 0 : i32
      %dma_wait3A_203 = tpu.memref_slice %arg11[%dma_wait3A_200, %dma_wait3A_201, %dma_wait3A_202] : memref<2x40x128xf32, #tpu.memory_space<vmem>> -> memref<1x40x128xf32, #tpu.memory_space<vmem>>
      %dma_wait3A_204 = tpu.memref_squeeze %dma_wait3A_203 : memref<1x40x128xf32, #tpu.memory_space<vmem>> -> memref<40x128xf32, #tpu.memory_space<vmem>>
      %dma_wait3A_205 = arith.constant 0 : i32
      %dma_wait3A_206 = arith.constant 0 : i32
      %dma_wait3A_207 = tpu.memref_slice %arg3[%dma_wait3A_205, %dma_wait3A_206] : memref<10000x128xf32, #tpu.memory_space<hbm>> -> memref<40x128xf32, #tpu.memory_space<hbm>>
      %dma_wait3A_208 = arith.constant 0 : i32
      %dma_wait3A_209 = arith.constant 0 : i32
      %dma_wait3A_210 = tpu.memref_slice %arg11[%dma_wait3A_200, %dma_wait3A_208, %dma_wait3A_209] : memref<2x40x128xf32, #tpu.memory_space<vmem>> -> memref<1x40x128xf32, #tpu.memory_space<vmem>>
      %dma_wait3A_211 = tpu.memref_squeeze %dma_wait3A_210 : memref<1x40x128xf32, #tpu.memory_space<vmem>> -> memref<40x128xf32, #tpu.memory_space<vmem>>
      %dma_wait3A_212 = arith.constant 0 : i32
      %dma_wait3A_213 = arith.constant 0 : i32
      %dma_wait3A_214 = tpu.memref_slice %arg3[%dma_wait3A_212, %dma_wait3A_213] : memref<10000x128xf32, #tpu.memory_space<hbm>> -> memref<40x128xf32, #tpu.memory_space<hbm>>
      tpu.wait_dma2 semaphore(%arg15 : memref<!tpu.dma_semaphore, #tpu.memory_space<semaphore_mem>>) src(%dma_wait3A_214 : memref<40x128xf32, #tpu.memory_space<hbm>>) dst(%dma_wait3A_211 : memref<40x128xf32, #tpu.memory_space<vmem>>)
      %scan3A_215 = arith.constant 0 : i32
      %scan3A_216 = arith.constant 0 : i32
      %scan3A_217 = arith.constant 40 : i32
      %scan3A_218 = arith.addi %scan3A_216, %scan3A_217 : i32
      %scan3A_219 = arith.constant 2 : i32
      scf.for %scan3A_257 = %scan3A_216 to %scan3A_218 step %scan3A_219  : i32 {
        %get3A = arith.constant 1 : i32
        %get3A_258 = arith.index_cast %get3A : i32 to index
        %get3A_259 = arith.index_cast %scan3A_257 : i32 to index
        %get3A_260 = arith.constant 0 : index
        %get3A_261 = tpu.vector_load %arg10[%get3A_258, %get3A_259, %get3A_260] {strides = array<i32>} : memref<2x40x128xf32, #tpu.memory_space<vmem>>, vector<16xf32>,
        %bitcast3A = vector.bitcast %get3A_261 : vector<16xf32> to vector<32xbf16>
        %get3A_262 = arith.constant 1 : i32
        %get3A_263 = arith.index_cast %get3A_262 : i32 to index
        %get3A_264 = arith.index_cast %scan3A_257 : i32 to index
        %get3A_265 = arith.constant 0 : index
        %get3A_266 = tpu.vector_load %arg11[%get3A_263, %get3A_264, %get3A_265] {strides = array<i32>} : memref<2x40x128xf32, #tpu.memory_space<vmem>>, vector<16xf32>,
        %bitcast3A_267 = vector.bitcast %get3A_266 : vector<16xf32> to vector<32xbf16>
        %add3A_268 = arith.addf %bitcast3A, %bitcast3A_267 : vector<32xbf16>
        %bitcast3A_269 = vector.bitcast %add3A_268 : vector<32xbf16> to vector<16xf32>
        %swap3A = arith.constant 1 : i32
        %swap3A_270 = arith.index_cast %swap3A : i32 to index
        %swap3A_271 = arith.index_cast %scan3A_257 : i32 to index
        %swap3A_272 = arith.constant 0 : index
        %swap3A_273 = tpu.vector_load %arg12[%swap3A_270, %swap3A_271, %swap3A_272] {strides = array<i32>} : memref<2x40x64xf32, #tpu.memory_space<vmem>>, vector<16xf32>,
        tpu.vector_store %arg12[%swap3A_270, %swap3A_271, %swap3A_272], %bitcast3A_269 {strides = array<i32>} : memref<2x40x64xf32, #tpu.memory_space<vmem>>, vector<16xf32>,
        %get3A_274 = arith.constant 1 : i32
        %get3A_275 = arith.index_cast %get3A_274 : i32 to index
        %get3A_276 = arith.index_cast %scan3A_257 : i32 to index
        %get3A_277 = arith.constant 16 : index
        %get3A_278 = tpu.vector_load %arg10[%get3A_275, %get3A_276, %get3A_277] {strides = array<i32>} : memref<2x40x128xf32, #tpu.memory_space<vmem>>, vector<16xf32>,
        %bitcast3A_279 = vector.bitcast %get3A_278 : vector<16xf32> to vector<32xbf16>
        %get3A_280 = arith.constant 1 : i32
        %get3A_281 = arith.index_cast %get3A_280 : i32 to index
        %get3A_282 = arith.index_cast %scan3A_257 : i32 to index
        %get3A_283 = arith.constant 16 : index
        %get3A_284 = tpu.vector_load %arg11[%get3A_281, %get3A_282, %get3A_283] {strides = array<i32>} : memref<2x40x128xf32, #tpu.memory_space<vmem>>, vector<16xf32>,
        %bitcast3A_285 = vector.bitcast %get3A_284 : vector<16xf32> to vector<32xbf16>
        %add3A_286 = arith.addf %bitcast3A_279, %bitcast3A_285 : vector<32xbf16>
        %bitcast3A_287 = vector.bitcast %add3A_286 : vector<32xbf16> to vector<16xf32>
        %swap3A_288 = arith.constant 1 : i32
        %swap3A_289 = arith.index_cast %swap3A_288 : i32 to index
        %swap3A_290 = arith.index_cast %scan3A_257 : i32 to index
        %swap3A_291 = arith.constant 16 : index
        %swap3A_292 = tpu.vector_load %arg12[%swap3A_289, %swap3A_290, %swap3A_291] {strides = array<i32>} : memref<2x40x64xf32, #tpu.memory_space<vmem>>, vector<16xf32>,
        tpu.vector_store %arg12[%swap3A_289, %swap3A_290, %swap3A_291], %bitcast3A_287 {strides = array<i32>} : memref<2x40x64xf32, #tpu.memory_space<vmem>>, vector<16xf32>,
        %get3A_293 = arith.constant 1 : i32
        %get3A_294 = arith.index_cast %get3A_293 : i32 to index
        %get3A_295 = arith.index_cast %scan3A_257 : i32 to index
        %get3A_296 = arith.constant 32 : index
        %get3A_297 = tpu.vector_load %arg10[%get3A_294, %get3A_295, %get3A_296] {strides = array<i32>} : memref<2x40x128xf32, #tpu.memory_space<vmem>>, vector<16xf32>,
        %bitcast3A_298 = vector.bitcast %get3A_297 : vector<16xf32> to vector<32xbf16>
        %get3A_299 = arith.constant 1 : i32
        %get3A_300 = arith.index_cast %get3A_299 : i32 to index
        %get3A_301 = arith.index_cast %scan3A_257 : i32 to index
        %get3A_302 = arith.constant 32 : index
        %get3A_303 = tpu.vector_load %arg11[%get3A_300, %get3A_301, %get3A_302] {strides = array<i32>} : memref<2x40x128xf32, #tpu.memory_space<vmem>>, vector<16xf32>,
        %bitcast3A_304 = vector.bitcast %get3A_303 : vector<16xf32> to vector<32xbf16>
        %add3A_305 = arith.addf %bitcast3A_298, %bitcast3A_304 : vector<32xbf16>
        %bitcast3A_306 = vector.bitcast %add3A_305 : vector<32xbf16> to vector<16xf32>
        %swap3A_307 = arith.constant 1 : i32
        %swap3A_308 = arith.index_cast %swap3A_307 : i32 to index
        %swap3A_309 = arith.index_cast %scan3A_257 : i32 to index
        %swap3A_310 = arith.constant 32 : index
        %swap3A_311 = tpu.vector_load %arg12[%swap3A_308, %swap3A_309, %swap3A_310] {strides = array<i32>} : memref<2x40x64xf32, #tpu.memory_space<vmem>>, vector<16xf32>,
        tpu.vector_store %arg12[%swap3A_308, %swap3A_309, %swap3A_310], %bitcast3A_306 {strides = array<i32>} : memref<2x40x64xf32, #tpu.memory_space<vmem>>, vector<16xf32>,
        %get3A_312 = arith.constant 1 : i32
        %get3A_313 = arith.index_cast %get3A_312 : i32 to index
        %get3A_314 = arith.index_cast %scan3A_257 : i32 to index
        %get3A_315 = arith.constant 48 : index
        %get3A_316 = tpu.vector_load %arg10[%get3A_313, %get3A_314, %get3A_315] {strides = array<i32>} : memref<2x40x128xf32, #tpu.memory_space<vmem>>, vector<16xf32>,
        %bitcast3A_317 = vector.bitcast %get3A_316 : vector<16xf32> to vector<32xbf16>
        %get3A_318 = arith.constant 1 : i32
        %get3A_319 = arith.index_cast %get3A_318 : i32 to index
        %get3A_320 = arith.index_cast %scan3A_257 : i32 to index
        %get3A_321 = arith.constant 48 : index
        %get3A_322 = tpu.vector_load %arg11[%get3A_319, %get3A_320, %get3A_321] {strides = array<i32>} : memref<2x40x128xf32, #tpu.memory_space<vmem>>, vector<16xf32>,
        %bitcast3A_323 = vector.bitcast %get3A_322 : vector<16xf32> to vector<32xbf16>
        %add3A_324 = arith.addf %bitcast3A_317, %bitcast3A_323 : vector<32xbf16>
        %bitcast3A_325 = vector.bitcast %add3A_324 : vector<32xbf16> to vector<16xf32>
        %swap3A_326 = arith.constant 1 : i32
        %swap3A_327 = arith.index_cast %swap3A_326 : i32 to index
        %swap3A_328 = arith.index_cast %scan3A_257 : i32 to index
        %swap3A_329 = arith.constant 48 : index
        %swap3A_330 = tpu.vector_load %arg12[%swap3A_327, %swap3A_328, %swap3A_329] {strides = array<i32>} : memref<2x40x64xf32, #tpu.memory_space<vmem>>, vector<16xf32>,
        tpu.vector_store %arg12[%swap3A_327, %swap3A_328, %swap3A_329], %bitcast3A_325 {strides = array<i32>} : memref<2x40x64xf32, #tpu.memory_space<vmem>>, vector<16xf32>,
        %broadcast_in_dim3A = arith.constant 0.000000e+00 : f32
        %broadcast_in_dim3A_331 = vector.broadcast %broadcast_in_dim3A : f32 to vector<16xf32>
        %get3A_332 = arith.constant 1 : i32
        %get3A_333 = arith.index_cast %get3A_332 : i32 to index
        %get3A_334 = arith.index_cast %scan3A_257 : i32 to index
        %get3A_335 = arith.constant 64 : index
        %get3A_336 = tpu.vector_load %arg10[%get3A_333, %get3A_334, %get3A_335] {strides = array<i32>} : memref<2x40x128xf32, #tpu.memory_space<vmem>>, vector<16xf32>,
        %bitcast3A_337 = vector.bitcast %get3A_336 : vector<16xf32> to vector<32xbf16>
        %get3A_338 = arith.constant 1 : i32
        %get3A_339 = arith.index_cast %get3A_338 : i32 to index
        %get3A_340 = arith.index_cast %scan3A_257 : i32 to index
        %get3A_341 = arith.constant 64 : index
        %get3A_342 = tpu.vector_load %arg11[%get3A_339, %get3A_340, %get3A_341] {strides = array<i32>} : memref<2x40x128xf32, #tpu.memory_space<vmem>>, vector<16xf32>,
        %bitcast3A_343 = vector.bitcast %get3A_342 : vector<16xf32> to vector<32xbf16>
        %mul3A_344 = arith.mulf %bitcast3A_337, %bitcast3A_343 : vector<32xbf16>
        %unpack3A = tpu.unpack_subelements %mul3A_344, 0 {pack_format = #tpu.pack_format<interleaved>} : vector<32xbf16> -> vector<16xf32>
        %unpack3A_345 = tpu.unpack_subelements %mul3A_344, 1 {pack_format = #tpu.pack_format<interleaved>} : vector<32xbf16> -> vector<16xf32>
        %add3A_346 = arith.addf %broadcast_in_dim3A_331, %unpack3A : vector<16xf32>
        %add3A_347 = arith.addf %add3A_346, %unpack3A_345 : vector<16xf32>
        %get3A_348 = arith.constant 1 : i32
        %get3A_349 = arith.index_cast %get3A_348 : i32 to index
        %get3A_350 = arith.index_cast %scan3A_257 : i32 to index
        %get3A_351 = arith.constant 80 : index
        %get3A_352 = tpu.vector_load %arg10[%get3A_349, %get3A_350, %get3A_351] {strides = array<i32>} : memref<2x40x128xf32, #tpu.memory_space<vmem>>, vector<16xf32>,
        %bitcast3A_353 = vector.bitcast %get3A_352 : vector<16xf32> to vector<32xbf16>
        %get3A_354 = arith.constant 1 : i32
        %get3A_355 = arith.index_cast %get3A_354 : i32 to index
        %get3A_356 = arith.index_cast %scan3A_257 : i32 to index
        %get3A_357 = arith.constant 80 : index
        %get3A_358 = tpu.vector_load %arg11[%get3A_355, %get3A_356, %get3A_357] {strides = array<i32>} : memref<2x40x128xf32, #tpu.memory_space<vmem>>, vector<16xf32>,
        %bitcast3A_359 = vector.bitcast %get3A_358 : vector<16xf32> to vector<32xbf16>
        %mul3A_360 = arith.mulf %bitcast3A_353, %bitcast3A_359 : vector<32xbf16>
        %unpack3A_361 = tpu.unpack_subelements %mul3A_360, 0 {pack_format = #tpu.pack_format<interleaved>} : vector<32xbf16> -> vector<16xf32>
        %unpack3A_362 = tpu.unpack_subelements %mul3A_360, 1 {pack_format = #tpu.pack_format<interleaved>} : vector<32xbf16> -> vector<16xf32>
        %add3A_363 = arith.addf %add3A_347, %unpack3A_361 : vector<16xf32>
        %add3A_364 = arith.addf %add3A_363, %unpack3A_362 : vector<16xf32>
        %get3A_365 = arith.constant 1 : i32
        %get3A_366 = arith.index_cast %get3A_365 : i32 to index
        %get3A_367 = arith.index_cast %scan3A_257 : i32 to index
        %get3A_368 = arith.constant 96 : index
        %get3A_369 = tpu.vector_load %arg10[%get3A_366, %get3A_367, %get3A_368] {strides = array<i32>} : memref<2x40x128xf32, #tpu.memory_space<vmem>>, vector<16xf32>,
        %bitcast3A_370 = vector.bitcast %get3A_369 : vector<16xf32> to vector<32xbf16>
        %get3A_371 = arith.constant 1 : i32
        %get3A_372 = arith.index_cast %get3A_371 : i32 to index
        %get3A_373 = arith.index_cast %scan3A_257 : i32 to index
        %get3A_374 = arith.constant 96 : index
        %get3A_375 = tpu.vector_load %arg11[%get3A_372, %get3A_373, %get3A_374] {strides = array<i32>} : memref<2x40x128xf32, #tpu.memory_space<vmem>>, vector<16xf32>,
        %bitcast3A_376 = vector.bitcast %get3A_375 : vector<16xf32> to vector<32xbf16>
        %mul3A_377 = arith.mulf %bitcast3A_370, %bitcast3A_376 : vector<32xbf16>
        %unpack3A_378 = tpu.unpack_subelements %mul3A_377, 0 {pack_format = #tpu.pack_format<interleaved>} : vector<32xbf16> -> vector<16xf32>
        %unpack3A_379 = tpu.unpack_subelements %mul3A_377, 1 {pack_format = #tpu.pack_format<interleaved>} : vector<32xbf16> -> vector<16xf32>
        %add3A_380 = arith.addf %add3A_364, %unpack3A_378 : vector<16xf32>
        %add3A_381 = arith.addf %add3A_380, %unpack3A_379 : vector<16xf32>
        %get3A_382 = arith.constant 1 : i32
        %get3A_383 = arith.index_cast %get3A_382 : i32 to index
        %get3A_384 = arith.index_cast %scan3A_257 : i32 to index
        %get3A_385 = arith.constant 112 : index
        %get3A_386 = tpu.vector_load %arg10[%get3A_383, %get3A_384, %get3A_385] {strides = array<i32>} : memref<2x40x128xf32, #tpu.memory_space<vmem>>, vector<16xf32>,
        %bitcast3A_387 = vector.bitcast %get3A_386 : vector<16xf32> to vector<32xbf16>
        %get3A_388 = arith.constant 1 : i32
        %get3A_389 = arith.index_cast %get3A_388 : i32 to index
        %get3A_390 = arith.index_cast %scan3A_257 : i32 to index
        %get3A_391 = arith.constant 112 : index
        %get3A_392 = tpu.vector_load %arg11[%get3A_389, %get3A_390, %get3A_391] {strides = array<i32>} : memref<2x40x128xf32, #tpu.memory_space<vmem>>, vector<16xf32>,
        %bitcast3A_393 = vector.bitcast %get3A_392 : vector<16xf32> to vector<32xbf16>
        %mul3A_394 = arith.mulf %bitcast3A_387, %bitcast3A_393 : vector<32xbf16>
        %unpack3A_395 = tpu.unpack_subelements %mul3A_394, 0 {pack_format = #tpu.pack_format<interleaved>} : vector<32xbf16> -> vector<16xf32>
        %unpack3A_396 = tpu.unpack_subelements %mul3A_394, 1 {pack_format = #tpu.pack_format<interleaved>} : vector<32xbf16> -> vector<16xf32>
        %add3A_397 = arith.addf %add3A_381, %unpack3A_395 : vector<16xf32>
        %add3A_398 = arith.addf %add3A_397, %unpack3A_396 : vector<16xf32>
        %swap3A_399 = arith.constant 1 : i32
        %swap3A_400 = arith.index_cast %swap3A_399 : i32 to index
        %swap3A_401 = arith.index_cast %scan3A_257 : i32 to index
        %swap3A_402 = arith.constant 0 : index
        %swap3A_403 = tpu.vector_load %arg13[%swap3A_400, %swap3A_401, %swap3A_402] {strides = array<i32>} : memref<2x40x16xf32, #tpu.memory_space<vmem>>, vector<16xf32>,
        tpu.vector_store %arg13[%swap3A_400, %swap3A_401, %swap3A_402], %add3A_398 {strides = array<i32>} : memref<2x40x16xf32, #tpu.memory_space<vmem>>, vector<16xf32>,
        %scan3A_404 = arith.constant 1 : i32
        %scan3A_405 = arith.addi %scan3A_257, %scan3A_404 : i32
        %get3A_406 = arith.constant 1 : i32
        %get3A_407 = arith.index_cast %get3A_406 : i32 to index
        %get3A_408 = arith.index_cast %scan3A_405 : i32 to index
        %get3A_409 = arith.constant 0 : index
        %get3A_410 = tpu.vector_load %arg10[%get3A_407, %get3A_408, %get3A_409] {strides = array<i32>} : memref<2x40x128xf32, #tpu.memory_space<vmem>>, vector<16xf32>,
        %bitcast3A_411 = vector.bitcast %get3A_410 : vector<16xf32> to vector<32xbf16>
        %get3A_412 = arith.constant 1 : i32
        %get3A_413 = arith.index_cast %get3A_412 : i32 to index
        %get3A_414 = arith.index_cast %scan3A_405 : i32 to index
        %get3A_415 = arith.constant 0 : index
        %get3A_416 = tpu.vector_load %arg11[%get3A_413, %get3A_414, %get3A_415] {strides = array<i32>} : memref<2x40x128xf32, #tpu.memory_space<vmem>>, vector<16xf32>,
        %bitcast3A_417 = vector.bitcast %get3A_416 : vector<16xf32> to vector<32xbf16>
        %add3A_418 = arith.addf %bitcast3A_411, %bitcast3A_417 : vector<32xbf16>
        %bitcast3A_419 = vector.bitcast %add3A_418 : vector<32xbf16> to vector<16xf32>
        %swap3A_420 = arith.constant 1 : i32
        %swap3A_421 = arith.index_cast %swap3A_420 : i32 to index
        %swap3A_422 = arith.index_cast %scan3A_405 : i32 to index
        %swap3A_423 = arith.constant 0 : index
        %swap3A_424 = tpu.vector_load %arg12[%swap3A_421, %swap3A_422, %swap3A_423] {strides = array<i32>} : memref<2x40x64xf32, #tpu.memory_space<vmem>>, vector<16xf32>,
        tpu.vector_store %arg12[%swap3A_421, %swap3A_422, %swap3A_423], %bitcast3A_419 {strides = array<i32>} : memref<2x40x64xf32, #tpu.memory_space<vmem>>, vector<16xf32>,
        %get3A_425 = arith.constant 1 : i32
        %get3A_426 = arith.index_cast %get3A_425 : i32 to index
        %get3A_427 = arith.index_cast %scan3A_405 : i32 to index
        %get3A_428 = arith.constant 16 : index
        %get3A_429 = tpu.vector_load %arg10[%get3A_426, %get3A_427, %get3A_428] {strides = array<i32>} : memref<2x40x128xf32, #tpu.memory_space<vmem>>, vector<16xf32>,
        %bitcast3A_430 = vector.bitcast %get3A_429 : vector<16xf32> to vector<32xbf16>
        %get3A_431 = arith.constant 1 : i32
        %get3A_432 = arith.index_cast %get3A_431 : i32 to index
        %get3A_433 = arith.index_cast %scan3A_405 : i32 to index
        %get3A_434 = arith.constant 16 : index
        %get3A_435 = tpu.vector_load %arg11[%get3A_432, %get3A_433, %get3A_434] {strides = array<i32>} : memref<2x40x128xf32, #tpu.memory_space<vmem>>, vector<16xf32>,
        %bitcast3A_436 = vector.bitcast %get3A_435 : vector<16xf32> to vector<32xbf16>
        %add3A_437 = arith.addf %bitcast3A_430, %bitcast3A_436 : vector<32xbf16>
        %bitcast3A_438 = vector.bitcast %add3A_437 : vector<32xbf16> to vector<16xf32>
        %swap3A_439 = arith.constant 1 : i32
        %swap3A_440 = arith.index_cast %swap3A_439 : i32 to index
        %swap3A_441 = arith.index_cast %scan3A_405 : i32 to index
        %swap3A_442 = arith.constant 16 : index
        %swap3A_443 = tpu.vector_load %arg12[%swap3A_440, %swap3A_441, %swap3A_442] {strides = array<i32>} : memref<2x40x64xf32, #tpu.memory_space<vmem>>, vector<16xf32>,
        tpu.vector_store %arg12[%swap3A_440, %swap3A_441, %swap3A_442], %bitcast3A_438 {strides = array<i32>} : memref<2x40x64xf32, #tpu.memory_space<vmem>>, vector<16xf32>,
        %get3A_444 = arith.constant 1 : i32
        %get3A_445 = arith.index_cast %get3A_444 : i32 to index
        %get3A_446 = arith.index_cast %scan3A_405 : i32 to index
        %get3A_447 = arith.constant 32 : index
        %get3A_448 = tpu.vector_load %arg10[%get3A_445, %get3A_446, %get3A_447] {strides = array<i32>} : memref<2x40x128xf32, #tpu.memory_space<vmem>>, vector<16xf32>,
        %bitcast3A_449 = vector.bitcast %get3A_448 : vector<16xf32> to vector<32xbf16>
        %get3A_450 = arith.constant 1 : i32
        %get3A_451 = arith.index_cast %get3A_450 : i32 to index
        %get3A_452 = arith.index_cast %scan3A_405 : i32 to index
        %get3A_453 = arith.constant 32 : index
        %get3A_454 = tpu.vector_load %arg11[%get3A_451, %get3A_452, %get3A_453] {strides = array<i32>} : memref<2x40x128xf32, #tpu.memory_space<vmem>>, vector<16xf32>,
        %bitcast3A_455 = vector.bitcast %get3A_454 : vector<16xf32> to vector<32xbf16>
        %add3A_456 = arith.addf %bitcast3A_449, %bitcast3A_455 : vector<32xbf16>
        %bitcast3A_457 = vector.bitcast %add3A_456 : vector<32xbf16> to vector<16xf32>
        %swap3A_458 = arith.constant 1 : i32
        %swap3A_459 = arith.index_cast %swap3A_458 : i32 to index
        %swap3A_460 = arith.index_cast %scan3A_405 : i32 to index
        %swap3A_461 = arith.constant 32 : index
        %swap3A_462 = tpu.vector_load %arg12[%swap3A_459, %swap3A_460, %swap3A_461] {strides = array<i32>} : memref<2x40x64xf32, #tpu.memory_space<vmem>>, vector<16xf32>,
        tpu.vector_store %arg12[%swap3A_459, %swap3A_460, %swap3A_461], %bitcast3A_457 {strides = array<i32>} : memref<2x40x64xf32, #tpu.memory_space<vmem>>, vector<16xf32>,
        %get3A_463 = arith.constant 1 : i32
        %get3A_464 = arith.index_cast %get3A_463 : i32 to index
        %get3A_465 = arith.index_cast %scan3A_405 : i32 to index
        %get3A_466 = arith.constant 48 : index
        %get3A_467 = tpu.vector_load %arg10[%get3A_464, %get3A_465, %get3A_466] {strides = array<i32>} : memref<2x40x128xf32, #tpu.memory_space<vmem>>, vector<16xf32>,
        %bitcast3A_468 = vector.bitcast %get3A_467 : vector<16xf32> to vector<32xbf16>
        %get3A_469 = arith.constant 1 : i32
        %get3A_470 = arith.index_cast %get3A_469 : i32 to index
        %get3A_471 = arith.index_cast %scan3A_405 : i32 to index
        %get3A_472 = arith.constant 48 : index
        %get3A_473 = tpu.vector_load %arg11[%get3A_470, %get3A_471, %get3A_472] {strides = array<i32>} : memref<2x40x128xf32, #tpu.memory_space<vmem>>, vector<16xf32>,
        %bitcast3A_474 = vector.bitcast %get3A_473 : vector<16xf32> to vector<32xbf16>
        %add3A_475 = arith.addf %bitcast3A_468, %bitcast3A_474 : vector<32xbf16>
        %bitcast3A_476 = vector.bitcast %add3A_475 : vector<32xbf16> to vector<16xf32>
        %swap3A_477 = arith.constant 1 : i32
        %swap3A_478 = arith.index_cast %swap3A_477 : i32 to index
        %swap3A_479 = arith.index_cast %scan3A_405 : i32 to index
        %swap3A_480 = arith.constant 48 : index
        %swap3A_481 = tpu.vector_load %arg12[%swap3A_478, %swap3A_479, %swap3A_480] {strides = array<i32>} : memref<2x40x64xf32, #tpu.memory_space<vmem>>, vector<16xf32>,
        tpu.vector_store %arg12[%swap3A_478, %swap3A_479, %swap3A_480], %bitcast3A_476 {strides = array<i32>} : memref<2x40x64xf32, #tpu.memory_space<vmem>>, vector<16xf32>,
        %broadcast_in_dim3A_482 = arith.constant 0.000000e+00 : f32
        %broadcast_in_dim3A_483 = vector.broadcast %broadcast_in_dim3A_482 : f32 to vector<16xf32>
        %get3A_484 = arith.constant 1 : i32
        %get3A_485 = arith.index_cast %get3A_484 : i32 to index
        %get3A_486 = arith.index_cast %scan3A_405 : i32 to index
        %get3A_487 = arith.constant 64 : index
        %get3A_488 = tpu.vector_load %arg10[%get3A_485, %get3A_486, %get3A_487] {strides = array<i32>} : memref<2x40x128xf32, #tpu.memory_space<vmem>>, vector<16xf32>,
        %bitcast3A_489 = vector.bitcast %get3A_488 : vector<16xf32> to vector<32xbf16>
        %get3A_490 = arith.constant 1 : i32
        %get3A_491 = arith.index_cast %get3A_490 : i32 to index
        %get3A_492 = arith.index_cast %scan3A_405 : i32 to index
        %get3A_493 = arith.constant 64 : index
        %get3A_494 = tpu.vector_load %arg11[%get3A_491, %get3A_492, %get3A_493] {strides = array<i32>} : memref<2x40x128xf32, #tpu.memory_space<vmem>>, vector<16xf32>,
        %bitcast3A_495 = vector.bitcast %get3A_494 : vector<16xf32> to vector<32xbf16>
        %mul3A_496 = arith.mulf %bitcast3A_489, %bitcast3A_495 : vector<32xbf16>
        %unpack3A_497 = tpu.unpack_subelements %mul3A_496, 0 {pack_format = #tpu.pack_format<interleaved>} : vector<32xbf16> -> vector<16xf32>
        %unpack3A_498 = tpu.unpack_subelements %mul3A_496, 1 {pack_format = #tpu.pack_format<interleaved>} : vector<32xbf16> -> vector<16xf32>
        %add3A_499 = arith.addf %broadcast_in_dim3A_483, %unpack3A_497 : vector<16xf32>
        %add3A_500 = arith.addf %add3A_499, %unpack3A_498 : vector<16xf32>
        %get3A_501 = arith.constant 1 : i32
        %get3A_502 = arith.index_cast %get3A_501 : i32 to index
        %get3A_503 = arith.index_cast %scan3A_405 : i32 to index
        %get3A_504 = arith.constant 80 : index
        %get3A_505 = tpu.vector_load %arg10[%get3A_502, %get3A_503, %get3A_504] {strides = array<i32>} : memref<2x40x128xf32, #tpu.memory_space<vmem>>, vector<16xf32>,
        %bitcast3A_506 = vector.bitcast %get3A_505 : vector<16xf32> to vector<32xbf16>
        %get3A_507 = arith.constant 1 : i32
        %get3A_508 = arith.index_cast %get3A_507 : i32 to index
        %get3A_509 = arith.index_cast %scan3A_405 : i32 to index
        %get3A_510 = arith.constant 80 : index
        %get3A_511 = tpu.vector_load %arg11[%get3A_508, %get3A_509, %get3A_510] {strides = array<i32>} : memref<2x40x128xf32, #tpu.memory_space<vmem>>, vector<16xf32>,
        %bitcast3A_512 = vector.bitcast %get3A_511 : vector<16xf32> to vector<32xbf16>
        %mul3A_513 = arith.mulf %bitcast3A_506, %bitcast3A_512 : vector<32xbf16>
        %unpack3A_514 = tpu.unpack_subelements %mul3A_513, 0 {pack_format = #tpu.pack_format<interleaved>} : vector<32xbf16> -> vector<16xf32>
        %unpack3A_515 = tpu.unpack_subelements %mul3A_513, 1 {pack_format = #tpu.pack_format<interleaved>} : vector<32xbf16> -> vector<16xf32>
        %add3A_516 = arith.addf %add3A_500, %unpack3A_514 : vector<16xf32>
        %add3A_517 = arith.addf %add3A_516, %unpack3A_515 : vector<16xf32>
        %get3A_518 = arith.constant 1 : i32
        %get3A_519 = arith.index_cast %get3A_518 : i32 to index
        %get3A_520 = arith.index_cast %scan3A_405 : i32 to index
        %get3A_521 = arith.constant 96 : index
        %get3A_522 = tpu.vector_load %arg10[%get3A_519, %get3A_520, %get3A_521] {strides = array<i32>} : memref<2x40x128xf32, #tpu.memory_space<vmem>>, vector<16xf32>,
        %bitcast3A_523 = vector.bitcast %get3A_522 : vector<16xf32> to vector<32xbf16>
        %get3A_524 = arith.constant 1 : i32
        %get3A_525 = arith.index_cast %get3A_524 : i32 to index
        %get3A_526 = arith.index_cast %scan3A_405 : i32 to index
        %get3A_527 = arith.constant 96 : index
        %get3A_528 = tpu.vector_load %arg11[%get3A_525, %get3A_526, %get3A_527] {strides = array<i32>} : memref<2x40x128xf32, #tpu.memory_space<vmem>>, vector<16xf32>,
        %bitcast3A_529 = vector.bitcast %get3A_528 : vector<16xf32> to vector<32xbf16>
        %mul3A_530 = arith.mulf %bitcast3A_523, %bitcast3A_529 : vector<32xbf16>
        %unpack3A_531 = tpu.unpack_subelements %mul3A_530, 0 {pack_format = #tpu.pack_format<interleaved>} : vector<32xbf16> -> vector<16xf32>
        %unpack3A_532 = tpu.unpack_subelements %mul3A_530, 1 {pack_format = #tpu.pack_format<interleaved>} : vector<32xbf16> -> vector<16xf32>
        %add3A_533 = arith.addf %add3A_517, %unpack3A_531 : vector<16xf32>
        %add3A_534 = arith.addf %add3A_533, %unpack3A_532 : vector<16xf32>
        %get3A_535 = arith.constant 1 : i32
        %get3A_536 = arith.index_cast %get3A_535 : i32 to index
        %get3A_537 = arith.index_cast %scan3A_405 : i32 to index
        %get3A_538 = arith.constant 112 : index
        %get3A_539 = tpu.vector_load %arg10[%get3A_536, %get3A_537, %get3A_538] {strides = array<i32>} : memref<2x40x128xf32, #tpu.memory_space<vmem>>, vector<16xf32>,
        %bitcast3A_540 = vector.bitcast %get3A_539 : vector<16xf32> to vector<32xbf16>
        %get3A_541 = arith.constant 1 : i32
        %get3A_542 = arith.index_cast %get3A_541 : i32 to index
        %get3A_543 = arith.index_cast %scan3A_405 : i32 to index
        %get3A_544 = arith.constant 112 : index
        %get3A_545 = tpu.vector_load %arg11[%get3A_542, %get3A_543, %get3A_544] {strides = array<i32>} : memref<2x40x128xf32, #tpu.memory_space<vmem>>, vector<16xf32>,
        %bitcast3A_546 = vector.bitcast %get3A_545 : vector<16xf32> to vector<32xbf16>
        %mul3A_547 = arith.mulf %bitcast3A_540, %bitcast3A_546 : vector<32xbf16>
        %unpack3A_548 = tpu.unpack_subelements %mul3A_547, 0 {pack_format = #tpu.pack_format<interleaved>} : vector<32xbf16> -> vector<16xf32>
        %unpack3A_549 = tpu.unpack_subelements %mul3A_547, 1 {pack_format = #tpu.pack_format<interleaved>} : vector<32xbf16> -> vector<16xf32>
        %add3A_550 = arith.addf %add3A_534, %unpack3A_548 : vector<16xf32>
        %add3A_551 = arith.addf %add3A_550, %unpack3A_549 : vector<16xf32>
        %swap3A_552 = arith.constant 1 : i32
        %swap3A_553 = arith.index_cast %swap3A_552 : i32 to index
        %swap3A_554 = arith.index_cast %scan3A_405 : i32 to index
        %swap3A_555 = arith.constant 0 : index
        %swap3A_556 = tpu.vector_load %arg13[%swap3A_553, %swap3A_554, %swap3A_555] {strides = array<i32>} : memref<2x40x16xf32, #tpu.memory_space<vmem>>, vector<16xf32>,
        tpu.vector_store %arg13[%swap3A_553, %swap3A_554, %swap3A_555], %add3A_551 {strides = array<i32>} : memref<2x40x16xf32, #tpu.memory_space<vmem>>, vector<16xf32>,
      }
      %scan3A_220 = arith.constant 40 : i32
      %add3A_221 = arith.constant 1 : i32
      %add3A_222 = arith.addi %mul3A_108, %add3A_221 : i32
      %mul3A_223 = arith.constant 40 : i32
      %mul3A_224 = arith.muli %add3A_222, %mul3A_223 : i32
      %add3A_225 = arith.addi %mul3A_2, %mul3A_224 : i32
      %dma_start3A_226 = arith.constant 1 : i32
      %dma_start3A_227 = arith.constant 0 : i32
      %dma_start3A_228 = arith.constant 0 : i32
      %dma_start3A_229 = tpu.memref_slice %arg12[%dma_start3A_226, %dma_start3A_227, %dma_start3A_228] : memref<2x40x64xf32, #tpu.memory_space<vmem>> -> memref<1x40x64xf32, #tpu.memory_space<vmem>>
      %dma_start3A_230 = tpu.memref_squeeze %dma_start3A_229 : memref<1x40x64xf32, #tpu.memory_space<vmem>> -> memref<40x64xf32, #tpu.memory_space<vmem>>
      %dma_start3A_231 = arith.constant 0 : i32
      %dma_start3A_232 = tpu.memref_slice %arg6[%add3A_225, %dma_start3A_231] : memref<320000x64xf32, #tpu.memory_space<hbm>> -> memref<40x64xf32, #tpu.memory_space<hbm>>
      %dma_start3A_233 = arith.constant 0 : i32
      %dma_start3A_234 = tpu.memref_slice %arg6[%add3A_225, %dma_start3A_233] : memref<320000x64xf32, #tpu.memory_space<hbm>> -> memref<40x64xf32, #tpu.memory_space<hbm>>
      %dma_start3A_235 = arith.constant 0 : i32
      %dma_start3A_236 = arith.constant 0 : i32
      %dma_start3A_237 = tpu.memref_slice %arg12[%dma_start3A_226, %dma_start3A_235, %dma_start3A_236] : memref<2x40x64xf32, #tpu.memory_space<vmem>> -> memref<1x40x64xf32, #tpu.memory_space<vmem>>
      %dma_start3A_238 = tpu.memref_squeeze %dma_start3A_237 : memref<1x40x64xf32, #tpu.memory_space<vmem>> -> memref<40x64xf32, #tpu.memory_space<vmem>>
      tpu.enqueue_dma source(%dma_start3A_238 : memref<40x64xf32, #tpu.memory_space<vmem>>) target(%dma_start3A_234 : memref<40x64xf32, #tpu.memory_space<hbm>>) target_semaphore(%arg17 : memref<!tpu.dma_semaphore, #tpu.memory_space<semaphore_mem>>)
      %dma_start3A_239 = arith.constant 1 : i32
      %dma_start3A_240 = arith.constant 0 : i32
      %dma_start3A_241 = arith.constant 0 : i32
      %dma_start3A_242 = tpu.memref_slice %arg13[%dma_start3A_239, %dma_start3A_240, %dma_start3A_241] : memref<2x40x16xf32, #tpu.memory_space<vmem>> -> memref<1x40x16xf32, #tpu.memory_space<vmem>>
      %dma_start3A_243 = tpu.memref_squeeze %dma_start3A_242 : memref<1x40x16xf32, #tpu.memory_space<vmem>> -> memref<40x16xf32, #tpu.memory_space<vmem>>
      %dma_start3A_244 = arith.constant 0 : i32
      %dma_start3A_245 = tpu.memref_slice %arg7[%add3A_225, %dma_start3A_244] : memref<320000x16xf32, #tpu.memory_space<hbm>> -> memref<40x16xf32, #tpu.memory_space<hbm>>
      %dma_start3A_246 = arith.constant 0 : i32
      %dma_start3A_247 = tpu.memref_slice %arg7[%add3A_225, %dma_start3A_246] : memref<320000x16xf32, #tpu.memory_space<hbm>> -> memref<40x16xf32, #tpu.memory_space<hbm>>
      %dma_start3A_248 = arith.constant 0 : i32
      %dma_start3A_249 = arith.constant 0 : i32
      %dma_start3A_250 = tpu.memref_slice %arg13[%dma_start3A_239, %dma_start3A_248, %dma_start3A_249] : memref<2x40x16xf32, #tpu.memory_space<vmem>> -> memref<1x40x16xf32, #tpu.memory_space<vmem>>
      %dma_start3A_251 = tpu.memref_squeeze %dma_start3A_250 : memref<1x40x16xf32, #tpu.memory_space<vmem>> -> memref<40x16xf32, #tpu.memory_space<vmem>>
      tpu.enqueue_dma source(%dma_start3A_251 : memref<40x16xf32, #tpu.memory_space<vmem>>) target(%dma_start3A_247 : memref<40x16xf32, #tpu.memory_space<hbm>>) target_semaphore(%arg17 : memref<!tpu.dma_semaphore, #tpu.memory_space<semaphore_mem>>)
      %lt3A_252 = arith.constant 124 : i32
      %lt3A_253 = arith.cmpi slt, %scan3A_106, %lt3A_252 : i32
      %convert_element_type3A_254 = arith.extui %lt3A_253 : i1 to i32
      %cond3A_255 = arith.constant 0 : i32
      %cond3A_256 = arith.cmpi ne, %convert_element_type3A_254, %cond3A_255 : i32
      scf.if %cond3A_256 {
        %add3A_257 = arith.constant 3 : i32
        %add3A_258 = arith.addi %mul3A_108, %add3A_257 : i32
        %mul3A_259 = arith.constant 40 : i32
        %mul3A_260 = arith.muli %add3A_258, %mul3A_259 : i32
        %dma_start3A_261 = arith.constant 1 : i32
        %dma_start3A_262 = arith.constant 0 : i32
        %dma_start3A_263 = arith.constant 0 : i32
        %dma_start3A_264 = tpu.memref_slice %arg10[%dma_start3A_261, %dma_start3A_262, %dma_start3A_263] : memref<2x40x128xf32, #tpu.memory_space<vmem>> -> memref<1x40x128xf32, #tpu.memory_space<vmem>>
        %dma_start3A_265 = tpu.memref_squeeze %dma_start3A_264 : memref<1x40x128xf32, #tpu.memory_space<vmem>> -> memref<40x128xf32, #tpu.memory_space<vmem>>
        %dma_start3A_266 = tpu.memref_slice %arg8[%mul3A_260] : memref<10000xi32, #tpu.memory_space<vmem>> -> memref<40xi32, #tpu.memory_space<vmem>>
        %dma_start3A_267 = arith.constant 0 : i32
        %dma_start3A_268 = arith.constant 0 : i32
        %dma_start3A_269 = tpu.memref_slice %arg2[%dma_start3A_267, %dma_start3A_268] : memref<10000x128xf32, #tpu.memory_space<hbm>> -> memref<10000x128xf32, #tpu.memory_space<hbm>>
        tpu.enqueue_indirect_dma source(%dma_start3A_269 : memref<10000x128xf32, #tpu.memory_space<hbm>>) target(%dma_start3A_265 : memref<40x128xf32, #tpu.memory_space<vmem>>) offsets(%dma_start3A_266 : memref<40xi32, #tpu.memory_space<vmem>>) semaphore(%arg15 : memref<!tpu.dma_semaphore, #tpu.memory_space<semaphore_mem>>)
        %dma_start3A_270 = arith.constant 1 : i32
        %dma_start3A_271 = arith.constant 0 : i32
        %dma_start3A_272 = arith.constant 0 : i32
        %dma_start3A_273 = tpu.memref_slice %arg11[%dma_start3A_270, %dma_start3A_271, %dma_start3A_272] : memref<2x40x128xf32, #tpu.memory_space<vmem>> -> memref<1x40x128xf32, #tpu.memory_space<vmem>>
        %dma_start3A_274 = tpu.memref_squeeze %dma_start3A_273 : memref<1x40x128xf32, #tpu.memory_space<vmem>> -> memref<40x128xf32, #tpu.memory_space<vmem>>
        %dma_start3A_275 = tpu.memref_slice %arg9[%mul3A_260] : memref<10000xi32, #tpu.memory_space<vmem>> -> memref<40xi32, #tpu.memory_space<vmem>>
        %dma_start3A_276 = arith.constant 0 : i32
        %dma_start3A_277 = arith.constant 0 : i32
        %dma_start3A_278 = tpu.memref_slice %arg3[%dma_start3A_276, %dma_start3A_277] : memref<10000x128xf32, #tpu.memory_space<hbm>> -> memref<10000x128xf32, #tpu.memory_space<hbm>>
        tpu.enqueue_indirect_dma source(%dma_start3A_278 : memref<10000x128xf32, #tpu.memory_space<hbm>>) target(%dma_start3A_274 : memref<40x128xf32, #tpu.memory_space<vmem>>) offsets(%dma_start3A_275 : memref<40xi32, #tpu.memory_space<vmem>>) semaphore(%arg15 : memref<!tpu.dma_semaphore, #tpu.memory_space<semaphore_mem>>)
      } else {
      }
    }
    %scan3A_46 = arith.constant 125 : i32
    %dma_wait3A = arith.constant 0 : i32
    %dma_wait3A_47 = arith.constant 0 : i32
    %dma_wait3A_48 = arith.constant 0 : i32
    %dma_wait3A_49 = tpu.memref_slice %arg12[%dma_wait3A, %dma_wait3A_47, %dma_wait3A_48] : memref<2x40x64xf32, #tpu.memory_space<vmem>> -> memref<1x40x64xf32, #tpu.memory_space<vmem>>
    %dma_wait3A_50 = tpu.memref_squeeze %dma_wait3A_49 : memref<1x40x64xf32, #tpu.memory_space<vmem>> -> memref<40x64xf32, #tpu.memory_space<vmem>>
    %dma_wait3A_51 = arith.constant 0 : i32
    %dma_wait3A_52 = arith.constant 0 : i32
    %dma_wait3A_53 = tpu.memref_slice %arg6[%dma_wait3A_51, %dma_wait3A_52] : memref<320000x64xf32, #tpu.memory_space<hbm>> -> memref<40x64xf32, #tpu.memory_space<hbm>>
    %dma_wait3A_54 = arith.constant 0 : i32
    %dma_wait3A_55 = arith.constant 0 : i32
    %dma_wait3A_56 = tpu.memref_slice %arg6[%dma_wait3A_54, %dma_wait3A_55] : memref<320000x64xf32, #tpu.memory_space<hbm>> -> memref<40x64xf32, #tpu.memory_space<hbm>>
    %dma_wait3A_57 = arith.constant 0 : i32
    %dma_wait3A_58 = arith.constant 0 : i32
    %dma_wait3A_59 = tpu.memref_slice %arg12[%dma_wait3A, %dma_wait3A_57, %dma_wait3A_58] : memref<2x40x64xf32, #tpu.memory_space<vmem>> -> memref<1x40x64xf32, #tpu.memory_space<vmem>>
    %dma_wait3A_60 = tpu.memref_squeeze %dma_wait3A_59 : memref<1x40x64xf32, #tpu.memory_space<vmem>> -> memref<40x64xf32, #tpu.memory_space<vmem>>
    tpu.wait_dma2 semaphore(%arg16 : memref<!tpu.dma_semaphore, #tpu.memory_space<semaphore_mem>>) src(%dma_wait3A_60 : memref<40x64xf32, #tpu.memory_space<vmem>>) dst(%dma_wait3A_56 : memref<40x64xf32, #tpu.memory_space<hbm>>)
    %dma_wait3A_61 = arith.constant 0 : i32
    %dma_wait3A_62 = arith.constant 0 : i32
    %dma_wait3A_63 = arith.constant 0 : i32
    %dma_wait3A_64 = tpu.memref_slice %arg13[%dma_wait3A_61, %dma_wait3A_62, %dma_wait3A_63] : memref<2x40x16xf32, #tpu.memory_space<vmem>> -> memref<1x40x16xf32, #tpu.memory_space<vmem>>
    %dma_wait3A_65 = tpu.memref_squeeze %dma_wait3A_64 : memref<1x40x16xf32, #tpu.memory_space<vmem>> -> memref<40x16xf32, #tpu.memory_space<vmem>>
    %dma_wait3A_66 = arith.constant 0 : i32
    %dma_wait3A_67 = arith.constant 0 : i32
    %dma_wait3A_68 = tpu.memref_slice %arg7[%dma_wait3A_66, %dma_wait3A_67] : memref<320000x16xf32, #tpu.memory_space<hbm>> -> memref<40x16xf32, #tpu.memory_space<hbm>>
    %dma_wait3A_69 = arith.constant 0 : i32
    %dma_wait3A_70 = arith.constant 0 : i32
    %dma_wait3A_71 = tpu.memref_slice %arg7[%dma_wait3A_69, %dma_wait3A_70] : memref<320000x16xf32, #tpu.memory_space<hbm>> -> memref<40x16xf32, #tpu.memory_space<hbm>>
    %dma_wait3A_72 = arith.constant 0 : i32
    %dma_wait3A_73 = arith.constant 0 : i32
    %dma_wait3A_74 = tpu.memref_slice %arg13[%dma_wait3A_61, %dma_wait3A_72, %dma_wait3A_73] : memref<2x40x16xf32, #tpu.memory_space<vmem>> -> memref<1x40x16xf32, #tpu.memory_space<vmem>>
    %dma_wait3A_75 = tpu.memref_squeeze %dma_wait3A_74 : memref<1x40x16xf32, #tpu.memory_space<vmem>> -> memref<40x16xf32, #tpu.memory_space<vmem>>
    tpu.wait_dma2 semaphore(%arg16 : memref<!tpu.dma_semaphore, #tpu.memory_space<semaphore_mem>>) src(%dma_wait3A_75 : memref<40x16xf32, #tpu.memory_space<vmem>>) dst(%dma_wait3A_71 : memref<40x16xf32, #tpu.memory_space<hbm>>)
    %dma_wait3A_76 = arith.constant 1 : i32
    %dma_wait3A_77 = arith.constant 0 : i32
    %dma_wait3A_78 = arith.constant 0 : i32
    %dma_wait3A_79 = tpu.memref_slice %arg12[%dma_wait3A_76, %dma_wait3A_77, %dma_wait3A_78] : memref<2x40x64xf32, #tpu.memory_space<vmem>> -> memref<1x40x64xf32, #tpu.memory_space<vmem>>
    %dma_wait3A_80 = tpu.memref_squeeze %dma_wait3A_79 : memref<1x40x64xf32, #tpu.memory_space<vmem>> -> memref<40x64xf32, #tpu.memory_space<vmem>>
    %dma_wait3A_81 = arith.constant 0 : i32
    %dma_wait3A_82 = arith.constant 0 : i32
    %dma_wait3A_83 = tpu.memref_slice %arg6[%dma_wait3A_81, %dma_wait3A_82] : memref<320000x64xf32, #tpu.memory_space<hbm>> -> memref<40x64xf32, #tpu.memory_space<hbm>>
    %dma_wait3A_84 = arith.constant 0 : i32
    %dma_wait3A_85 = arith.constant 0 : i32
    %dma_wait3A_86 = tpu.memref_slice %arg6[%dma_wait3A_84, %dma_wait3A_85] : memref<320000x64xf32, #tpu.memory_space<hbm>> -> memref<40x64xf32, #tpu.memory_space<hbm>>
    %dma_wait3A_87 = arith.constant 0 : i32
    %dma_wait3A_88 = arith.constant 0 : i32
    %dma_wait3A_89 = tpu.memref_slice %arg12[%dma_wait3A_76, %dma_wait3A_87, %dma_wait3A_88] : memref<2x40x64xf32, #tpu.memory_space<vmem>> -> memref<1x40x64xf32, #tpu.memory_space<vmem>>
    %dma_wait3A_90 = tpu.memref_squeeze %dma_wait3A_89 : memref<1x40x64xf32, #tpu.memory_space<vmem>> -> memref<40x64xf32, #tpu.memory_space<vmem>>
    tpu.wait_dma2 semaphore(%arg17 : memref<!tpu.dma_semaphore, #tpu.memory_space<semaphore_mem>>) src(%dma_wait3A_90 : memref<40x64xf32, #tpu.memory_space<vmem>>) dst(%dma_wait3A_86 : memref<40x64xf32, #tpu.memory_space<hbm>>)
    %dma_wait3A_91 = arith.constant 1 : i32
    %dma_wait3A_92 = arith.constant 0 : i32
    %dma_wait3A_93 = arith.constant 0 : i32
    %dma_wait3A_94 = tpu.memref_slice %arg13[%dma_wait3A_91, %dma_wait3A_92, %dma_wait3A_93] : memref<2x40x16xf32, #tpu.memory_space<vmem>> -> memref<1x40x16xf32, #tpu.memory_space<vmem>>
    %dma_wait3A_95 = tpu.memref_squeeze %dma_wait3A_94 : memref<1x40x16xf32, #tpu.memory_space<vmem>> -> memref<40x16xf32, #tpu.memory_space<vmem>>
    %dma_wait3A_96 = arith.constant 0 : i32
    %dma_wait3A_97 = arith.constant 0 : i32
    %dma_wait3A_98 = tpu.memref_slice %arg7[%dma_wait3A_96, %dma_wait3A_97] : memref<320000x16xf32, #tpu.memory_space<hbm>> -> memref<40x16xf32, #tpu.memory_space<hbm>>
    %dma_wait3A_99 = arith.constant 0 : i32
    %dma_wait3A_100 = arith.constant 0 : i32
    %dma_wait3A_101 = tpu.memref_slice %arg7[%dma_wait3A_99, %dma_wait3A_100] : memref<320000x16xf32, #tpu.memory_space<hbm>> -> memref<40x16xf32, #tpu.memory_space<hbm>>
    %dma_wait3A_102 = arith.constant 0 : i32
    %dma_wait3A_103 = arith.constant 0 : i32
    %dma_wait3A_104 = tpu.memref_slice %arg13[%dma_wait3A_91, %dma_wait3A_102, %dma_wait3A_103] : memref<2x40x16xf32, #tpu.memory_space<vmem>> -> memref<1x40x16xf32, #tpu.memory_space<vmem>>
    %dma_wait3A_105 = tpu.memref_squeeze %dma_wait3A_104 : memref<1x40x16xf32, #tpu.memory_space<vmem>> -> memref<40x16xf32, #tpu.memory_space<vmem>>
    tpu.wait_dma2 semaphore(%arg17 : memref<!tpu.dma_semaphore, #tpu.memory_space<semaphore_mem>>) src(%dma_wait3A_105 : memref<40x16xf32, #tpu.memory_space<vmem>>) dst(%dma_wait3A_101 : memref<40x16xf32, #tpu.memory_space<hbm>>)
    return
  }
}

module attributes {stable_mosaic.version = 14 : i64} {
  func.func @_prep_body(%arg0: i32, %arg1: memref<2000x128xf32, #tpu.memory_space<vmem>>, %arg2: memref<2000x128xf32, #tpu.memory_space<vmem>>, %arg3: memref<2000x128xf32, #tpu.memory_space<vmem>>, %arg4: memref<2000x128xf32, #tpu.memory_space<vmem>>, %arg5: memref<2000x128xf32, #tpu.memory_space<vmem>>, %arg6: memref<2000x128xf32, #tpu.memory_space<vmem>>, %arg7: memref<2000x128xf32, #tpu.memory_space<vmem>>, %arg8: memref<1x128xf32, #tpu.memory_space<vmem>>, %arg9: memref<1x128xf32, #tpu.memory_space<vmem>>, %arg10: memref<2000x256xbf16, #tpu.memory_space<vmem>>, %arg11: memref<2000x256xbf16, #tpu.memory_space<vmem>>) attributes {dimension_semantics = [#tpu.dimension_semantics<arbitrary>], iteration_bounds = array<i64: 5>, scalar_prefetch = 0 : i64, scratch_operands = 0 : i64, tpu.core_type = #tpu.core_type<tc>, window_params = [{transform_indices = @transform_0, window_bounds = array<i64: 2000, 128>}, {transform_indices = @transform_1, window_bounds = array<i64: 2000, 128>}, {transform_indices = @transform_2, window_bounds = array<i64: 2000, 128>}, {transform_indices = @transform_3, window_bounds = array<i64: 2000, 128>}, {transform_indices = @transform_4, window_bounds = array<i64: 2000, 128>}, {transform_indices = @transform_5, window_bounds = array<i64: 2000, 128>}, {transform_indices = @transform_6, window_bounds = array<i64: 2000, 128>}, {pipeline_mode = #tpu.pipeline_mode<synchronous>, transform_indices = @transform_7, window_bounds = array<i64: 1, 128>}, {pipeline_mode = #tpu.pipeline_mode<synchronous>, transform_indices = @transform_8, window_bounds = array<i64: 1, 128>}, {transform_indices = @transform_9, window_bounds = array<i64: 2000, 256>}, {transform_indices = @transform_10, window_bounds = array<i64: 2000, 256>}]} {
    %get3A = arith.constant 0 : index
    %get3A_0 = arith.constant 0 : index
    %get3A_1 = vector.load %arg1[%get3A, %get3A_0] : memref<2000x128xf32, #tpu.memory_space<vmem>>, vector<2000x128xf32>
    %get3A_2 = arith.constant 0 : index
    %get3A_3 = arith.constant 0 : index
    %get3A_4 = vector.load %arg2[%get3A_2, %get3A_3] : memref<2000x128xf32, #tpu.memory_space<vmem>>, vector<2000x128xf32>
    %add3A = arith.addf %get3A_1, %get3A_4 : vector<2000x128xf32>
    %convert_element_type3A = arith.truncf %add3A : vector<2000x128xf32> to vector<2000x128xbf16>
    %swap3A = arith.constant 0 : index
    %swap3A_5 = arith.constant 0 : index
    %swap3A_6 = vector.load %arg10[%swap3A, %swap3A_5] : memref<2000x256xbf16, #tpu.memory_space<vmem>>, vector<2000x128xbf16>
    tpu.vector_store %arg10[%swap3A, %swap3A_5], %convert_element_type3A {strides = array<i32>} : memref<2000x256xbf16, #tpu.memory_space<vmem>>, vector<2000x128xbf16>,
    %get3A_7 = arith.constant 0 : index
    %get3A_8 = arith.constant 0 : index
    %get3A_9 = vector.load %arg3[%get3A_7, %get3A_8] : memref<2000x128xf32, #tpu.memory_space<vmem>>, vector<2000x128xf32>
    %get3A_10 = arith.constant 0 : index
    %get3A_11 = arith.constant 0 : index
    %get3A_12 = vector.load %arg8[%get3A_10, %get3A_11] : memref<1x128xf32, #tpu.memory_space<vmem>>, vector<1x128xf32>
    %mul3A = vector.broadcast %get3A_12 : vector<1x128xf32> to vector<2000x128xf32>
    %mul3A_13 = arith.mulf %get3A_9, %mul3A : vector<2000x128xf32>
    %get3A_14 = arith.constant 0 : index
    %get3A_15 = arith.constant 0 : index
    %get3A_16 = vector.load %arg4[%get3A_14, %get3A_15] : memref<2000x128xf32, #tpu.memory_space<vmem>>, vector<2000x128xf32>
    %get3A_17 = arith.constant 0 : index
    %get3A_18 = arith.constant 0 : index
    %get3A_19 = vector.load %arg9[%get3A_17, %get3A_18] : memref<1x128xf32, #tpu.memory_space<vmem>>, vector<1x128xf32>
    %mul3A_20 = vector.broadcast %get3A_19 : vector<1x128xf32> to vector<2000x128xf32>
    %mul3A_21 = arith.mulf %get3A_16, %mul3A_20 : vector<2000x128xf32>
    %add3A_22 = arith.addf %mul3A_13, %mul3A_21 : vector<2000x128xf32>
    %convert_element_type3A_23 = arith.truncf %add3A_22 : vector<2000x128xf32> to vector<2000x128xbf16>
    %swap3A_24 = arith.constant 0 : index
    %swap3A_25 = arith.constant 128 : index
    %swap3A_26 = vector.load %arg10[%swap3A_24, %swap3A_25] : memref<2000x256xbf16, #tpu.memory_space<vmem>>, vector<2000x128xbf16>
    tpu.vector_store %arg10[%swap3A_24, %swap3A_25], %convert_element_type3A_23 {strides = array<i32>} : memref<2000x256xbf16, #tpu.memory_space<vmem>>, vector<2000x128xbf16>,
    %get3A_27 = arith.constant 0 : index
    %get3A_28 = arith.constant 0 : index
    %get3A_29 = vector.load %arg5[%get3A_27, %get3A_28] : memref<2000x128xf32, #tpu.memory_space<vmem>>, vector<2000x128xf32>
    %get3A_30 = arith.constant 0 : index
    %get3A_31 = arith.constant 0 : index
    %get3A_32 = vector.load %arg6[%get3A_30, %get3A_31] : memref<2000x128xf32, #tpu.memory_space<vmem>>, vector<2000x128xf32>
    %add3A_33 = arith.addf %get3A_29, %get3A_32 : vector<2000x128xf32>
    %convert_element_type3A_34 = arith.truncf %add3A_33 : vector<2000x128xf32> to vector<2000x128xbf16>
    %swap3A_35 = arith.constant 0 : index
    %swap3A_36 = arith.constant 0 : index
    %swap3A_37 = vector.load %arg11[%swap3A_35, %swap3A_36] : memref<2000x256xbf16, #tpu.memory_space<vmem>>, vector<2000x128xbf16>
    tpu.vector_store %arg11[%swap3A_35, %swap3A_36], %convert_element_type3A_34 {strides = array<i32>} : memref<2000x256xbf16, #tpu.memory_space<vmem>>, vector<2000x128xbf16>,
    %get3A_38 = arith.constant 0 : index
    %get3A_39 = arith.constant 0 : index
    %get3A_40 = vector.load %arg7[%get3A_38, %get3A_39] : memref<2000x128xf32, #tpu.memory_space<vmem>>, vector<2000x128xf32>
    %convert_element_type3A_41 = arith.truncf %get3A_40 : vector<2000x128xf32> to vector<2000x128xbf16>
    %swap3A_42 = arith.constant 0 : index
    %swap3A_43 = arith.constant 128 : index
    %swap3A_44 = vector.load %arg11[%swap3A_42, %swap3A_43] : memref<2000x256xbf16, #tpu.memory_space<vmem>>, vector<2000x128xbf16>
    tpu.vector_store %arg11[%swap3A_42, %swap3A_43], %convert_element_type3A_41 {strides = array<i32>} : memref<2000x256xbf16, #tpu.memory_space<vmem>>, vector<2000x128xbf16>,
    return
  }
  func.func @transform_0(%arg0: i32) -> (i32, i32) {
    %c0_i32 = arith.constant 0 : i32
    %c0_i32_0 = arith.constant 0 : i32
    return %arg0, %c0_i32 : i32, i32
  }
  func.func @transform_1(%arg0: i32) -> (i32, i32) {
    %c0_i32 = arith.constant 0 : i32
    %c0_i32_0 = arith.constant 0 : i32
    return %arg0, %c0_i32 : i32, i32
  }
  func.func @transform_2(%arg0: i32) -> (i32, i32) {
    %c0_i32 = arith.constant 0 : i32
    %c0_i32_0 = arith.constant 0 : i32
    return %arg0, %c0_i32 : i32, i32
  }
  func.func @transform_3(%arg0: i32) -> (i32, i32) {
    %c0_i32 = arith.constant 0 : i32
    %c0_i32_0 = arith.constant 0 : i32
    return %arg0, %c0_i32 : i32, i32
  }
  func.func @transform_4(%arg0: i32) -> (i32, i32) {
    %c0_i32 = arith.constant 0 : i32
    %c0_i32_0 = arith.constant 0 : i32
    return %arg0, %c0_i32 : i32, i32
  }
  func.func @transform_5(%arg0: i32) -> (i32, i32) {
    %c0_i32 = arith.constant 0 : i32
    %c0_i32_0 = arith.constant 0 : i32
    return %arg0, %c0_i32 : i32, i32
  }
  func.func @transform_6(%arg0: i32) -> (i32, i32) {
    %c0_i32 = arith.constant 0 : i32
    %c0_i32_0 = arith.constant 0 : i32
    return %arg0, %c0_i32 : i32, i32
  }
  func.func @transform_7(%arg0: i32) -> (i32, i32) {
    %c0_i32 = arith.constant 0 : i32
    %c0_i32_0 = arith.constant 0 : i32
    %c0_i32_1 = arith.constant 0 : i32
    return %c0_i32, %c0_i32_0 : i32, i32
  }
  func.func @transform_8(%arg0: i32) -> (i32, i32) {
    %c0_i32 = arith.constant 0 : i32
    %c0_i32_0 = arith.constant 0 : i32
    %c0_i32_1 = arith.constant 0 : i32
    return %c0_i32, %c0_i32_0 : i32, i32
  }
  func.func @transform_9(%arg0: i32) -> (i32, i32) {
    %c0_i32 = arith.constant 0 : i32
    %c0_i32_0 = arith.constant 0 : i32
    return %arg0, %c0_i32 : i32, i32
  }
  func.func @transform_10(%arg0: i32) -> (i32, i32) {
    %c0_i32 = arith.constant 0 : i32
    %c0_i32_0 = arith.constant 0 : i32
    return %arg0, %c0_i32 : i32, i32
  }
}

module attributes {stable_mosaic.version = 14 : i64} {
  func.func @_mlp_body(%arg0: i32, %arg1: memref<512x64xf32, #tpu.memory_space<vmem>>, %arg2: memref<512x16xf32, #tpu.memory_space<vmem>>, %arg3: memref<128x64xf32, #tpu.memory_space<vmem>>, %arg4: memref<128x64xf32, #tpu.memory_space<vmem>>, %arg5: memref<1x128xf32, #tpu.memory_space<vmem>>, %arg6: memref<1x128xf32, #tpu.memory_space<vmem>>, %arg7: memref<1x1xf32, #tpu.memory_space<vmem>>, %arg8: memref<1x1xf32, #tpu.memory_space<vmem>>, %arg9: memref<1x1xf32, #tpu.memory_space<vmem>>, %arg10: memref<512x1xf32, #tpu.memory_space<vmem>>) attributes {dimension_semantics = [#tpu.dimension_semantics<arbitrary>], iteration_bounds = array<i64: 625>, scalar_prefetch = 0 : i64, scratch_operands = 0 : i64, tpu.core_type = #tpu.core_type<tc>, window_params = [{transform_indices = @transform_0, window_bounds = array<i64: 512, 64>}, {transform_indices = @transform_1, window_bounds = array<i64: 512, 16>}, {pipeline_mode = #tpu.pipeline_mode<synchronous>, transform_indices = @transform_2, window_bounds = array<i64: 128, 64>}, {pipeline_mode = #tpu.pipeline_mode<synchronous>, transform_indices = @transform_3, window_bounds = array<i64: 128, 64>}, {pipeline_mode = #tpu.pipeline_mode<synchronous>, transform_indices = @transform_4, window_bounds = array<i64: 1, 128>}, {pipeline_mode = #tpu.pipeline_mode<synchronous>, transform_indices = @transform_5, window_bounds = array<i64: 1, 128>}, {pipeline_mode = #tpu.pipeline_mode<synchronous>, transform_indices = @transform_6, window_bounds = array<i64: 1, 1>}, {pipeline_mode = #tpu.pipeline_mode<synchronous>, transform_indices = @transform_7, window_bounds = array<i64: 1, 1>}, {pipeline_mode = #tpu.pipeline_mode<synchronous>, transform_indices = @transform_8, window_bounds = array<i64: 1, 1>}, {transform_indices = @transform_9, window_bounds = array<i64: 512, 1>}]} {
    %get3A = arith.constant 0 : index
    %get3A_0 = arith.constant 0 : index
    %get3A_1 = vector.load %arg1[%get3A, %get3A_0] : memref<512x64xf32, #tpu.memory_space<vmem>>, vector<512x64xf32>
    %bitcast_convert_type3A = tpu.bitcast %get3A_1 : vector<512x64xf32> -> vector<512x64xi32>
    %shift_left3A = arith.constant 16 : i32
    %shift_left3A_2 = vector.broadcast %shift_left3A : i32 to vector<512x64xi32>
    %shift_left3A_3 = arith.shli %bitcast_convert_type3A, %shift_left3A_2 : vector<512x64xi32>
    %bitcast_convert_type3A_4 = tpu.bitcast %shift_left3A_3 : vector<512x64xi32> -> vector<512x64xf32>
    %and3A = arith.constant -65536 : i32
    %and3A_5 = vector.broadcast %and3A : i32 to vector<512x64xi32>
    %and3A_6 = arith.andi %bitcast_convert_type3A, %and3A_5 : vector<512x64xi32>
    %bitcast_convert_type3A_7 = tpu.bitcast %and3A_6 : vector<512x64xi32> -> vector<512x64xf32>
    %ge3A = arith.constant 0.000000e+00 : f32
    %ge3A_8 = vector.broadcast %ge3A : f32 to vector<512x64xf32>
    %ge3A_9 = arith.cmpf oge, %bitcast_convert_type3A_4, %ge3A_8 : vector<512x64xf32>
    %mul3A = arith.constant 0.00999999977 : f32
    %mul3A_10 = vector.broadcast %mul3A : f32 to vector<512x64xf32>
    %mul3A_11 = arith.mulf %mul3A_10, %bitcast_convert_type3A_4 : vector<512x64xf32>
    %select_n3A = arith.select %ge3A_9, %bitcast_convert_type3A_4, %mul3A_11 : vector<512x64xi1>, vector<512x64xf32>
    %ge3A_12 = arith.constant 0.000000e+00 : f32
    %ge3A_13 = vector.broadcast %ge3A_12 : f32 to vector<512x64xf32>
    %ge3A_14 = arith.cmpf oge, %bitcast_convert_type3A_7, %ge3A_13 : vector<512x64xf32>
    %mul3A_15 = arith.constant 0.00999999977 : f32
    %mul3A_16 = vector.broadcast %mul3A_15 : f32 to vector<512x64xf32>
    %mul3A_17 = arith.mulf %mul3A_16, %bitcast_convert_type3A_7 : vector<512x64xf32>
    %select_n3A_18 = arith.select %ge3A_14, %bitcast_convert_type3A_7, %mul3A_17 : vector<512x64xi1>, vector<512x64xf32>
    %get3A_19 = arith.constant 0 : index
    %get3A_20 = arith.constant 0 : index
    %get3A_21 = vector.load %arg3[%get3A_19, %get3A_20] : memref<128x64xf32, #tpu.memory_space<vmem>>, vector<128x64xf32>
    %dot_general3A = arith.constant dense<0.000000e+00> : vector<512x128xf32>
    %dot_general3A_22 = tpu.matmul %select_n3A, %get3A_21, %dot_general3A {dimension_numbers = #tpu.dot_dimension_numbers<[1], [1], [0], [0], [0, 0, 1, 0], [], []>, transpose_lhs_hint = false} : vector<512x64xf32>, vector<128x64xf32>, vector<512x128xf32> -> vector<512x128xf32>
    %get3A_23 = arith.constant 0 : index
    %get3A_24 = arith.constant 0 : index
    %get3A_25 = vector.load %arg4[%get3A_23, %get3A_24] : memref<128x64xf32, #tpu.memory_space<vmem>>, vector<128x64xf32>
    %dot_general3A_26 = arith.constant dense<0.000000e+00> : vector<512x128xf32>
    %dot_general3A_27 = tpu.matmul %select_n3A_18, %get3A_25, %dot_general3A_26 {dimension_numbers = #tpu.dot_dimension_numbers<[1], [1], [0], [0], [0, 0, 1, 0], [], []>, transpose_lhs_hint = false} : vector<512x64xf32>, vector<128x64xf32>, vector<512x128xf32> -> vector<512x128xf32>
    %add3A = arith.addf %dot_general3A_22, %dot_general3A_27 : vector<512x128xf32>
    %get3A_28 = arith.constant 0 : index
    %get3A_29 = arith.constant 0 : index
    %get3A_30 = vector.load %arg5[%get3A_28, %get3A_29] : memref<1x128xf32, #tpu.memory_space<vmem>>, vector<1x128xf32>
    %add3A_31 = vector.broadcast %get3A_30 : vector<1x128xf32> to vector<512x128xf32>
    %add3A_32 = arith.addf %add3A, %add3A_31 : vector<512x128xf32>
    %ge3A_33 = arith.constant 0.000000e+00 : f32
    %ge3A_34 = vector.broadcast %ge3A_33 : f32 to vector<512x128xf32>
    %ge3A_35 = arith.cmpf oge, %add3A_32, %ge3A_34 : vector<512x128xf32>
    %mul3A_36 = arith.constant 0.00999999977 : f32
    %mul3A_37 = vector.broadcast %mul3A_36 : f32 to vector<512x128xf32>
    %mul3A_38 = arith.mulf %mul3A_37, %add3A_32 : vector<512x128xf32>
    %select_n3A_39 = arith.select %ge3A_35, %add3A_32, %mul3A_38 : vector<512x128xi1>, vector<512x128xf32>
    %get3A_40 = arith.constant 0 : index
    %get3A_41 = arith.constant 0 : index
    %get3A_42 = vector.load %arg6[%get3A_40, %get3A_41] : memref<1x128xf32, #tpu.memory_space<vmem>>, vector<1x128xf32>
    %mul3A_43 = vector.broadcast %get3A_42 : vector<1x128xf32> to vector<512x128xf32>
    %mul3A_44 = arith.mulf %select_n3A_39, %mul3A_43 : vector<512x128xf32>
    %reduce_sum3A = arith.constant dense<0.000000e+00> : vector<512xf32>
    %reduce_sum3A_45 = vector.multi_reduction <add>, %mul3A_44, %reduce_sum3A [1] : vector<512x128xf32> to vector<512xf32>
    %broadcast_in_dim3A = vector.shape_cast %reduce_sum3A_45 : vector<512xf32> to vector<512x1xf32>
    %get3A_46 = arith.constant 0 : index
    %get3A_47 = arith.constant 0 : index
    %get3A_48 = vector.load %arg2[%get3A_46, %get3A_47] : memref<512x16xf32, #tpu.memory_space<vmem>>, vector<512x16xf32>
    %reduce_sum3A_49 = arith.constant dense<0.000000e+00> : vector<512xf32>
    %reduce_sum3A_50 = vector.multi_reduction <add>, %get3A_48, %reduce_sum3A_49 [1] : vector<512x16xf32> to vector<512xf32>
    %broadcast_in_dim3A_51 = vector.shape_cast %reduce_sum3A_50 : vector<512xf32> to vector<512x1xf32>
    %add3A_52 = arith.addf %broadcast_in_dim3A, %broadcast_in_dim3A_51 : vector<512x1xf32>
    %get3A_53 = arith.constant 0 : index
    %get3A_54 = arith.constant 0 : index
    %get3A_55 = vector.load %arg7[%get3A_53, %get3A_54] : memref<1x1xf32, #tpu.memory_space<vmem>>, vector<1x1xf32>
    %get3A_56 = arith.constant 0 : index
    %get3A_57 = arith.constant 0 : index
    %get3A_58 = vector.load %arg8[%get3A_56, %get3A_57] : memref<1x1xf32, #tpu.memory_space<vmem>>, vector<1x1xf32>
    %add3A_59 = arith.addf %get3A_55, %get3A_58 : vector<1x1xf32>
    %get3A_60 = arith.constant 0 : index
    %get3A_61 = arith.constant 0 : index
    %get3A_62 = vector.load %arg9[%get3A_60, %get3A_61] : memref<1x1xf32, #tpu.memory_space<vmem>>, vector<1x1xf32>
    %add3A_63 = arith.addf %add3A_59, %get3A_62 : vector<1x1xf32>
    %add3A_64 = vector.broadcast %add3A_63 : vector<1x1xf32> to vector<512x1xf32>
    %add3A_65 = arith.addf %add3A_52, %add3A_64 : vector<512x1xf32>
    %swap3A = arith.constant 0 : index
    %swap3A_66 = arith.constant 0 : index
    %swap3A_67 = vector.load %arg10[%swap3A, %swap3A_66] : memref<512x1xf32, #tpu.memory_space<vmem>>, vector<512x1xf32>
    tpu.vector_store %arg10[%swap3A, %swap3A_66], %add3A_65 {strides = array<i32>} : memref<512x1xf32, #tpu.memory_space<vmem>>, vector<512x1xf32>,
    return
  }
  func.func @transform_0(%arg0: i32) -> (i32, i32) {
    %c0_i32 = arith.constant 0 : i32
    %c0_i32_0 = arith.constant 0 : i32
    return %arg0, %c0_i32 : i32, i32
  }
  func.func @transform_1(%arg0: i32) -> (i32, i32) {
    %c0_i32 = arith.constant 0 : i32
    %c0_i32_0 = arith.constant 0 : i32
    return %arg0, %c0_i32 : i32, i32
  }
  func.func @transform_2(%arg0: i32) -> (i32, i32) {
    %c0_i32 = arith.constant 0 : i32
    %c0_i32_0 = arith.constant 0 : i32
    %c0_i32_1 = arith.constant 0 : i32
    return %c0_i32, %c0_i32_0 : i32, i32
  }
  func.func @transform_3(%arg0: i32) -> (i32, i32) {
    %c0_i32 = arith.constant 0 : i32
    %c0_i32_0 = arith.constant 0 : i32
    %c0_i32_1 = arith.constant 0 : i32
    return %c0_i32, %c0_i32_0 : i32, i32
  }
  func.func @transform_4(%arg0: i32) -> (i32, i32) {
    %c0_i32 = arith.constant 0 : i32
    %c0_i32_0 = arith.constant 0 : i32
    %c0_i32_1 = arith.constant 0 : i32
    return %c0_i32, %c0_i32_0 : i32, i32
  }
  func.func @transform_5(%arg0: i32) -> (i32, i32) {
    %c0_i32 = arith.constant 0 : i32
    %c0_i32_0 = arith.constant 0 : i32
    %c0_i32_1 = arith.constant 0 : i32
    return %c0_i32, %c0_i32_0 : i32, i32
  }
  func.func @transform_6(%arg0: i32) -> (i32, i32) {
    %c0_i32 = arith.constant 0 : i32
    %c0_i32_0 = arith.constant 0 : i32
    %c0_i32_1 = arith.constant 0 : i32
    return %c0_i32, %c0_i32_0 : i32, i32
  }
  func.func @transform_7(%arg0: i32) -> (i32, i32) {
    %c0_i32 = arith.constant 0 : i32
    %c0_i32_0 = arith.constant 0 : i32
    %c0_i32_1 = arith.constant 0 : i32
    return %c0_i32, %c0_i32_0 : i32, i32
  }
  func.func @transform_8(%arg0: i32) -> (i32, i32) {
    %c0_i32 = arith.constant 0 : i32
    %c0_i32_0 = arith.constant 0 : i32
    %c0_i32_1 = arith.constant 0 : i32
    return %c0_i32, %c0_i32_0 : i32, i32
  }
  func.func @transform_9(%arg0: i32) -> (i32, i32) {
    %c0_i32 = arith.constant 0 : i32
    %c0_i32_0 = arith.constant 0 : i32
    return %arg0, %c0_i32 : i32, i32
  }
}

</mosaic_0001>

<sc_bundles>
// kernel: kernel.5.cloned.1.call-start
scs
__scs_entry_jumppad:
0x0: {  	(pc) =	sbr.rel $0x88, $3  }
0x1: {  	(tag) =	ssettag $0x0;
	lr =	simm.s32 $0x1  }
0x2: {  	[smem:$0x3F91] =	sst lr;
	_ =	strace $0xD0000000  }
0x3: {  	_ = 	snop  }
0x4: {  	_ = 	snop  }
0x5: {  	_ = 	snop  }
0x6: {  	_ = 	snop  }
0x7: {  	_ = 	snop  }
__scs_overlays_trampoline_lowered:
0x8: {  	[smem:$0x3FA0] =	sst s0  }
0x9: {  	[smem:$0x3FA1] =	sst s1  }
0xa: {  	[smem:$0x3FA2] =	sst s2  }
0xb: {  	[smem:$0x3FA3] =	sst s3  }
0xc: {  	[smem:$0x3FA4] =	sst s4  }
0xd: {  	[smem:$0x3FA5] =	sst s5  }
0xe: {  	[smem:$0x3FA6] =	sst s6  }
0xf: {  	[smem:$0x3FA7] =	sst s7  }
0x10: {  	[smem:$0x3FA8] =	sst s8  }
0x11: {  	[smem:$0x3FA9] =	sst s9;
	s0 =	simm.s32 @!p0 $0x0  }
0x12: {  	s1 =	sld [smem:$0x3F8F];
	s0 =	simm.s32 @p0 $0x1  }
0x13: {  	[smem:$0x3FAA] =	sst s0;
	s0 =	simm.s32 @!p1 $0x0  }
0x14: {  	s2 =	sld [smem:$0x3F8E];
	s0 =	simm.s32 @p1 $0x1  }
0x15: {  	[smem:$0x3FAB] =	sst s0;
	s0 =	simm.s32 @!p2 $0x0  }
0x16: {  	s3 =	sld [smem:$0x3FDB];
	s0 =	simm.s32 @p2 $0x1  }
0x17: {  	s4 =	simm.s32 $0x1BF5;
	[smem:$0x3FAD] =	sst s0  }
0x18: {  	s0 =	sld [smem:$0x3F90];
	_ =	swait.ge [sflag:s4], $0x0  }
0x19: {  	s7 =	sld [smem:$0x3F91]  }
0x1a: {  	s8 =	sadd.s32 $0xFFFFE003, lr  }
0x1b: {  	s9 =	sadd.s32 $0xFFFFFEF7, lr;
	s5 =	simm.s32 $0xFFFFFFFF;
	p2 =	slt.u32 s8, $0xFFFFF086  }
0x1c: {  	p1 =	slt.u32 s9, $0xF7A;
	s5 =	simm.s32 @!p2 $0x0  }
0x1d: {  	s5 =	simm.s32 @p1 $0x1;
	p0 =	seq.s32 s7, s2  }
0x1e: {  	s7 =	smul.u32 @!p0 $0xF7A, s2;
	p2 =	seq.s32 @!p0 s5, $0x0  }
0x1f: {  	s9 =	smul.u32 $0xF7A, s1;
	s8 =	simm.s32 @!p0 $0x1BF5;
	p2 =	por !p2, p0  }
0x20: {  	[sflag:s8] =	ssyncset.s32 @!p0 $0xFFFFF086;
	s6 =	sadd.s32 @!p0 s3, s7;
	s7 =	simm.s32 @!p0 $0x108  }
0x21: {  	s3 =	sadd.s32 s3, s9;
	s6 =	sadd.s32 @!p0 $0x88, s6;
	s7 =	simm.s32 @p2 $0x1082  }
0x22: {  	[simem:s7], [sflag:s8] =	dma.local @!p0 [hbm:s6], $0xF7A  }
0x23: {  	s9 =	sor.u32 $0xD0000000, s2;
	s6 =	simm.s32 $0x108;
	_ =	swait.ge @!p0 [sflag:s8], $0x0  }
0x24: {  	s3 =	sadd.s32 $0x88, s3;
	s6 =	simm.s32 @!p1 $0x1082;
	[sflag:s4] =	ssyncset.s32 $0xFFFFF086  }
0x25: {  	[simem:s6], [sflag:s4] =	dma.local [hbm:s3], $0xF7A  }
0x26: {  	[smem:$0x3F91] =	sst s1;
	(tag) =	ssettag s2;
	_ =	strace s9  }
0x27: {  	s1 =	sld [smem:$0x3FA1]  }
0x28: {  	s2 =	sld [smem:$0x3FA2]  }
0x29: {  	s4 =	sld [smem:$0x3FA4]  }
0x2a: {  	p0 =	seq.s32 s5, $0x0;
	s5 =	sld [smem:$0x3FA5]  }
0x2b: {  	s6 =	sld [smem:$0x3FA6]  }
0x2c: {  	s7 =	sld [smem:$0x3FA7]  }
0x2d: {  	s3 =	simm.s32 $0x108;
	s8 =	sld [smem:$0x3FA8]  }
0x2e: {  	s3 =	simm.s32 @!p0 $0x1082;
	s9 =	sld [smem:$0x3FA9]  }
0x2f: {  	lr =	sadd.s32 s0, s3;
	s0 =	sld [smem:$0x3FA0]  }
0x30: {  	s3 =	sld [smem:$0x3FA3]  }
0x31: {  	[smem:$0x3FAC] =	sst s10  }
0x32: {  	s10 =	sld [smem:$0x3FAA];
	_ =	sdelay $0x3  }
0x33: {  	p0 =	seq.s32 s10, $0x1;
	s10 =	sld [smem:$0x3FAC];
	_ =	sdelay $0x3  }
0x34: {  	[smem:$0x3FAC] =	sst s10  }
0x35: {  	s10 =	sld [smem:$0x3FAB];
	_ =	sdelay $0x3  }
0x36: {  	p1 =	seq.s32 s10, $0x1;
	s10 =	sld [smem:$0x3FAC];
	_ =	sdelay $0x3  }
0x37: {  	[smem:$0x3FAC] =	sst s10  }
0x38: {  	s10 =	sld [smem:$0x3FAD]  }
0x39: {  	_ = 	snop;
	(pc) =	sbr.ind lr, $3  }
0x3a: {  	_ = 	snop  }
0x3b: {  	_ = 	snop  }
0x3c: {  	p2 =	seq.s32 s10, $0x1;
	s10 =	sld [smem:$0x3FAC]  }
0x3d: {  	_ =	shalt  }
0x3e: {  	_ =	shalt  }
0x3f: {  	_ =	shalt  }
0x40: {  	_ =	shalt  }
0x41: {  	_ =	shalt  }
0x42: {  	_ =	shalt  }
0x43: {  	_ =	shalt  }
0x44: {  	_ =	shalt  }
0x45: {  	_ =	shalt  }
0x46: {  	_ =	shalt  }
0x47: {  	_ =	shalt  }
0x48: {  	_ =	shalt  }
0x49: {  	_ =	shalt  }
0x4a: {  	_ =	shalt  }
0x4b: {  	_ =	shalt  }
0x4c: {  	_ =	shalt  }
0x4d: {  	_ =	shalt  }
0x4e: {  	_ =	shalt  }
0x4f: {  	_ =	shalt  }
0x50: {  	_ =	shalt  }
0x51: {  	_ =	shalt  }
0x52: {  	_ =	shalt  }
0x53: {  	_ =	shalt  }
0x54: {  	_ =	shalt  }
0x55: {  	_ =	shalt  }
0x56: {  	_ =	shalt  }
0x57: {  	_ =	shalt  }
0x58: {  	_ =	shalt  }
0x59: {  	_ =	shalt  }
0x5a: {  	_ =	shalt  }
0x5b: {  	_ =	shalt  }
0x5c: {  	_ =	shalt  }
0x5d: {  	_ =	shalt  }
0x5e: {  	_ =	shalt  }
0x5f: {  	_ =	shalt  }
0x60: {  	_ =	shalt  }
0x61: {  	_ =	shalt  }
0x62: {  	_ =	shalt  }
0x63: {  	_ =	shalt  }
0x64: {  	_ =	shalt  }
0x65: {  	_ =	shalt  }
0x66: {  	_ =	shalt  }
0x67: {  	_ =	shalt  }
0x68: {  	_ =	shalt  }
0x69: {  	_ =	shalt  }
0x6a: {  	_ =	shalt  }
0x6b: {  	_ =	shalt  }
0x6c: {  	_ =	shalt  }
0x6d: {  	_ =	shalt  }
0x6e: {  	_ =	shalt  }
0x6f: {  	_ =	shalt  }
0x70: {  	_ =	shalt  }
0x71: {  	_ =	shalt  }
0x72: {  	_ =	shalt  }
0x73: {  	_ =	shalt  }
0x74: {  	_ =	shalt  }
0x75: {  	_ =	shalt  }
0x76: {  	_ =	shalt  }
0x77: {  	_ =	shalt  }
0x78: {  	_ =	shalt  }
0x79: {  	_ =	shalt  }
0x7a: {  	_ =	shalt  }
0x7b: {  	_ =	shalt  }
0x7c: {  	_ =	shalt  }
0x7d: {  	_ =	shalt  }
0x7e: {  	_ =	shalt  }
0x7f: {  	_ =	shalt  }
0x80: {  	_ =	shalt  }
0x81: {  	_ =	shalt  }
0x82: {  	_ =	shalt  }
0x83: {  	_ =	shalt  }
0x84: {  	_ =	shalt  }
0x85: {  	_ =	shalt  }
0x86: {  	_ =	shalt  }
0x87: {  	_ =	shalt  }
.Lfunc_end0:
.L_simem_size_0:
called_computation_lowered:
.L_overlay_start_0:
0x88: {  	s2 =	sld [smem:$0x3FD9]  }
0x89: {  	s3 =	sld [smem:$0x3FFE];
	_ =	sdelay $0x1  }
0x8a: {  	s1 =	srdreg.scid  }
0x8b: {  	s0 =	sand.u32 $0x1, s1  }
0x8c: {  	s16 =	sshll.u32 s0, $0xA;
	s2 =	sadd.s32 s3, s2  }
0x8d: {  	s2 =	sadd.s32 s2, s16  }
0x8e: {  	[smem:$0x3FB8] =	sst s2  }
0x8f: {  	_ = 	snop  }
0x90: {  	(tm) =	ssettm $0x1  }
0x91: {  	s17 =	sld [smem:$0x3FFB];
	_ =	sdelay $0x3  }
0x92: {  	_ =	strace s17  }
0x93: {  	s2 =	sld [smem:$0x3FFC];
	_ =	sdelay $0x3  }
0x94: {  	_ =	strace s2  }
0x95: {  	s2 =	sld [smem:$0x3FFD];
	_ =	sdelay $0x3  }
0x96: {  	_ =	strace s2  }
0x97: {  	_ =	strace $0x8FFFFFFF  }
0x98: {  	s18 =	sld [smem:$0x3FDB];
	_ =	sdelay $0x1  }
0x99: {  	s19 =	simm.s32 $_scs_section_size  }
0x9a: {  	s4 =	simm.s32 $_size__tile_overlayer_lowered;
	s5 =	simm.s32 $_tile_overlayer_lowered  }
0x9b: {  	s22 =	simm.s32 $0x1BFF;
	s21 =	sshll.u32 s5, $0x1;
	s2 =	sadd.s32 s19, s18  }
0x9c: {  	s6 =	simm.s32 $0x0;
	s20 =	sshll.u32 s4, $0x1;
	s4 =	sadd.s32 s21, s2  }
0x9d: {  	[timem:s6], [sflag:s22] =	dma.local [hbm:s4], s20  }
0x9e: {  	_ =	swait.ge [sflag:s22], s20  }
0x9f: {  	s3 =	ssub.s32 $0x0, s20;
	[sflag:s22] =	ssyncset.done $0x0  }
0xa0: {  	[sflag:s22] =	ssyncadd.s32 s3;
	_ =	sdelay $0x1  }
0xa1: {  	s23 =	simm.s32 $0x1B8B  }
0xa2: {  	_ =	swait.ge [sflag:s23], $0x1  }
0xa3: {  	[sflag:s23] =	ssyncset.done $0x0  }
0xa4: {  	s25 =	simm.s32 $0x1B8E;
	s24 =	sld [smem:$0x3FFE];
	[sflag:s23] =	ssyncadd.s32 $0xFFFFFFFF  }
0xa5: {  	s26 =	simm.s32 $execute0_lowered;
	[smem:$0x3FD2] =	sst s25  }
0xa6: {  	s4 =	sshll.u32 s26, $0x1;
	_ =	strace $0x80000046;
	[dreg:$0x1] =	wrdreg $0xFFFFFFFF  }
0xa7: {  	s28 =	simm.s32 $_size_execute0_lowered;
	s2 =	sadd.s32 s2, s4;
	[dreg:$0x0] =	wrdreg $0x0  }
0xa8: {  	s4 =	sshll.u32 s28, $0x1;
	[dreg:$0x2] =	wrdreg s2  }
0xa9: {  	[dreg:$0x3] =	wrdreg s4  }
0xaa: {  	[dreg:$0x4] =	wrdreg $0xC0  }
0xab: {  	_ =	task [dreg:s6], $0x5FFFF  }
0xac: {  	[dreg:$0x1] =	wrdreg $0xFFFFFFFF  }
0xad: {  	[dreg:$0x0] =	wrdreg $0x60  }
0xae: {  	[dreg:$0x2] =	wrdreg s24  }
0xaf: {  	[dreg:$0x3] =	wrdreg $0x9  }
0xb0: {  	_ =	task.clear_ibuf [dreg:s6], $0x4FFFF;
	_ =	strace $0x90000046  }
0xb1: {  	s29 =	simm.s32 $0x9;
	_ =	strace $0x80000048  }
0xb2: {  	_ =	swait.ge [sflag:s29], $0x1  }
0xb3: {  	[sflag:s29] =	ssyncadd.s32 $0xFFFFFFFF  }
0xb4: {  	_ =	strace $0x90000048  }
0xb5: {  	_ =	sfence  }
0xb6: {  	s30 =	sld [smem:$0x0];
	_ =	sdelay $0x2  }
0xb7: {  	s31 =	sshll.u32 s1, $0xD;
	s1 =	sshrl.u32 s1, $0x2  }
0xb8: {  	s3 =	sand.u32 $0x4000, s31;
	s1 =	sadd.s32 s1, s30  }
0xb9: {  	s0 =	sor.u32 s3, s0;
	s1 =	sshll.u32 s1, $0x11  }
0xba: {  	s0 =	sor.u32 s1, s0  }
0xbb: {  	s0 =	sadd.s32 $0x8F2B, s0  }
0xbc: {  	[sflag:s0] =	ssyncadd.remote.s32 $0x1  }
0xbd: {  	_ =	sfence.sel $0xFFFF  }
0xbe: {  	[dreg:$0x0] =	wrdreg $0xFFFFFFFF;
	(pc) =	sbr.abs _section_cstart, $3  }
0xbf: {  	[dreg:$0x1] =	wrdreg $0xFFFFFFFF  }
0xc0: {  	_ =	task.clear_ibuf [dreg:s6], $0x2FFFF;
	_ =	strace $0x9FFFFFFF  }
0xc1: {  	(tm) =	ssettm $0x7FFFFFFF  }
tec
execute0_lowered:
.L_overlay_start_1:
0x0: {  	(tag) =	ssettag $0x1  }
0x1: {  	s0 =	srdreg.scid  }
0x2: {  	s2 =	stileid.u32;
	s1 =	rddreg [dreg:$0x0]  }
0x3: {  	s12 =	simm.s32 $0x5;
	s14 =	simm.s32 $0x28;
	s17 =	simm.s32 $0x6300  }
0x4: {  	s19 =	simm.s32 $0x8B00;
	s20 =	simm.s32 $0x1;
	s21 =	simm.s32 $0x9F00  }
0x5: {  	s22 =	simm.s32 $0xC700;
	s23 =	simm.s32 $0x2;
	s24 =	simm.s32 $0xB300  }
0x6: {  	s25 =	simm.s32 $0xDB00;
	s0 =	sand.u32 $0x1, s0;
	s3 =	sshll.u32 s2, $0x1  }
0x7: {  	s26 =	simm.s32 $0x3;
	s28 =	simm.s32 $0x4;
	s3 =	sor.u32 s0, s3  }
0x8: {  	s29 =	simm.s32 $0x0;
	s2 =	simm.s32 $0x0;
	s3 =	smul.u32 $0x2710, s3  }
0x9: {  	s4 =	sadd.s32 $0x3B400, s1;
	s5 =	sadd.s32 $0x14200, s1;
	s7 =	sadd.s32 $0x544600, s1  }
.Ltmp0:
0xa: {  	s0 =	ssub.s32 $0x2, s0;
	s6 =	sshrl.u32 s3, $0x3;
	(pc) =	sbr.rel .LBB2_1-.Ltmp0, $4  }
0xb: {  	[smem:$0x7FF] =	sst s2;
	s9 =	sshrl.u32 s0, $0x1;
	s8 =	sadd.s32 s6, s1  }
0xc: {  	_ =	strace $0x80000047;
	s0 =	ssub.s32 s0, s9;
	s30 =	sadd.s32 $0xA400, s8  }
0xd: {  	s10 =	sadd.s32 $0x28, s3;
	s31 =	sadd.s32 $0x600, s8;
	[dreg:$0x2] =	wrdreg s30  }
0xe: {  	s11 =	smax.u32 s0, $0x1;
	s6 =	sadd.s32 $0x62600, s1;
	[dreg:$0x3] =	wrdreg s31  }
.LBB2_8:
0xf: {  	_ =	swait.ge [sflag:s26], $0x1400  }
0x10: {  	[sflag:s26] =	ssyncset.done $0x0  }
0x11: {  	[sflag:s26] =	ssyncadd.s32 $0xFFFFEC00  }
0x12: {  	_ =	swait.ge [sflag:s26], $0x1400  }
0x13: {  	[sflag:s26] =	ssyncset.done $0x0  }
0x14: {  	s29 =	sadd.s32 $0x1, s29;
	[sflag:s26] =	ssyncadd.s32 $0xFFFFEC00  }
0x15: {  	p0 =	sne.s32 s29, s11;
	_ =	swait.ge [sflag:s28], $0x1400  }
.Ltmp1:
0x16: {  	[sflag:s28] =	ssyncset.done $0x0;
	(pc) =	sbr.rel @!p0 .LBB2_9-.Ltmp1, $4  }
0x17: {  	[sflag:s28] =	ssyncadd.s32 $0xFFFFEC00  }
0x18: {  	_ =	swait.ge [sflag:s28], $0x1400  }
0x19: {  	[sflag:s28] =	ssyncset.done $0x0  }
0x1a: {  	[sflag:s28] =	ssyncadd.s32 $0xFFFFEC00  }
.LBB2_1:
0x1b: {  	s0 =	rddreg [dreg:$0x2]  }
0x1c: {  	[tilespmem:s2], [sflag:$0x5] =	stream.linear.gather [hbm4b:s0+s2], $0x2710, $0x38;
	[tilespmem:$0xEF00] =	vst v63  }
0x1d: {  	_ =	swait.ge [sflag:s12], $0x2710  }
0x1e: {  	[sflag:s12] =	ssyncset.done $0x0  }
0x1f: {  	s1 =	simm.s32 $0x2780;
	s15 =	rddreg [dreg:$0x3];
	[sflag:s12] =	ssyncadd.s32 $0xFFFFD8F0  }
0x20: {  	[tilespmem:s1], [sflag:$0x5] =	stream.linear.gather [hbm4b:s15+s2], $0x2710, $0x38;
	[tilespmem:$0xEF00] =	vst v63  }
0x21: {  	_ =	swait.ge [sflag:s12], $0x2710  }
0x22: {  	[sflag:s12] =	ssyncset.done $0x0  }
0x23: {  	s16 =	simm.s32 $0x4F00;
	[sflag:s12] =	ssyncadd.s32 $0xFFFFD8F0  }
0x24: {  	[tilespmem:s16], [sflag:$0x1] =	stream.indirect.gather [hbm4b:s4+s14], $0x80, s2, s14, $0xb8;
	[tilespmem:$0xEF00] =	vst v63  }
0x25: {  	s18 =	simm.s32 $0x7700  }
0x26: {  	[tilespmem:s18], [sflag:$0x1] =	stream.indirect.gather [hbm4b:s5+s14], $0x80, s1, s14, $0xb8;
	[tilespmem:$0xEF00] =	vst v63  }
0x27: {  	_ = 	snop  }
0x28: {  	[tilespmem:s17], [sflag:$0x2] =	stream.indirect.gather [hbm4b:s4+s14], $0x80, s14, s14, $0xb8;
	[tilespmem:$0xEF00] =	vst v63  }
0x29: {  	s31 =	simm.s32 $0x27A8;
	s30 =	simm.s32 $0x0  }
0x2a: {  	[tilespmem:s19], [sflag:$0x2] =	stream.indirect.gather [hbm4b:s5+s14], $0x80, s31, s14, $0xb8;
	[tilespmem:$0xEF00] =	vst v63  }
.LBB2_2:
0x2b: {  	p0 =	seq.s32 s30, $0x0  }
0x2c: {  	s0 =	simm.s32 @!p0 $0x3  }
0x2d: {  	_ =	swait.ge @!p0 [sflag:s0], $0x1400  }
0x2e: {  	[sflag:s0] =	ssyncset.done @!p0 $0x0  }
0x2f: {  	[sflag:s0] =	ssyncadd.s32 @!p0 $0xFFFFEC00  }
0x30: {  	_ =	swait.ge @!p0 [sflag:s0], $0x1400  }
0x31: {  	[sflag:s0] =	ssyncset.done @!p0 $0x0  }
0x32: {  	[sflag:s0] =	ssyncadd.s32 @!p0 $0xFFFFEC00  }
0x33: {  	_ =	swait.ge [sflag:s20], $0x1400  }
0x34: {  	[sflag:s20] =	ssyncset.done $0x0  }
0x35: {  	[sflag:s20] =	ssyncadd.s32 $0xFFFFEC00  }
0x36: {  	_ =	swait.ge [sflag:s20], $0x1400  }
0x37: {  	[sflag:s20] =	ssyncset.done $0x0  }
0x38: {  	s31 =	simm.s32 $0x7780;
	[sflag:s20] =	ssyncadd.s32 $0xFFFFEC00  }
0x39: {  	s1 =	simm.s32 $0x4F80;
	v0 =	vld [tilespmem:s31+$0xFFFFFF80]  }
0x3a: {  	v1 =	vld [tilespmem:s1+$0xFFFFFF80];
	_ =	sdelay $0x4  }
0x3b: {  	v0 =	vadd.bf16 v0, v1  }
0x3c: {  	s0 =	simm.s32 $0x9F80  }
0x3d: {  	[tilespmem:s0+$0xFFFFFF80] =	vst v0  }
0x3e: {  	v0 =	vld [tilespmem:s1+$0xFFFFFF90]  }
0x3f: {  	v50 =	vld [tilespmem:s31+$0xFFFFFF90];
	_ =	sdelay $0x4  }
0x40: {  	v0 =	vadd.bf16 v50, v0;
	_ =	sdelay $0x1  }
0x41: {  	[tilespmem:s0+$0xFFFFFF90] =	vst v0  }
0x42: {  	v0 =	vld [tilespmem:s1+$0xFFFFFFA0]  }
0x43: {  	v51 =	vld [tilespmem:s31+$0xFFFFFFA0];
	_ =	sdelay $0x4  }
0x44: {  	v0 =	vadd.bf16 v51, v0;
	_ =	sdelay $0x1  }
0x45: {  	[tilespmem:s0+$0xFFFFFFA0] =	vst v0  }
0x46: {  	v0 =	vld [tilespmem:s1+$0xFFFFFFB0]  }
0x47: {  	v52 =	vld [tilespmem:s31+$0xFFFFFFB0];
	_ =	sdelay $0x4  }
0x48: {  	v0 =	vadd.bf16 v52, v0;
	_ =	sdelay $0x1  }
0x49: {  	[tilespmem:s0+$0xFFFFFFB0] =	vst v0  }
0x4a: {  	v0 =	vld [tilespmem:s1+$0xFFFFFFC0]  }
0x4b: {  	v53 =	vld [tilespmem:s31+$0xFFFFFFC0];
	_ =	sdelay $0x2  }
0x4c: {  	v2 =	vld [tilespmem:s1+$0xFFFFFFD0]  }
0x4d: {  	v3 =	vld [tilespmem:s31+$0xFFFFFFD0]  }
0x4e: {  	v0 =	vmul.bf16 v53, v0;
	_ =	sdelay $0x1  }
0x4f: {  	v4 =	vld [tilespmem:s31+$0xFFFFFFE0];
	v1 =	vunpack.i.l.bf16.f32 v0  }
0x50: {  	v5 =	vld [tilespmem:s1+$0xFFFFFFE0];
	v1 =	vadd.f32 $0.0e+00, v1  }
0x51: {  	v2 =	vmul.bf16 v3, v2;
	v0 =	vunpack.i.u.bf16.f32 v0  }
0x52: {  	v0 =	vadd.f32 v1, v0  }
0x53: {  	v55 =	vld [tilespmem:s31+$0xFFFFFFF0];
	v54 =	vunpack.i.l.bf16.f32 v2  }
0x54: {  	v56 =	vld [tilespmem:s1+$0xFFFFFFF0];
	v0 =	vadd.f32 v54, v0  }
0x55: {  	v4 =	vmul.bf16 v4, v5;
	v2 =	vunpack.i.u.bf16.f32 v2  }
0x56: {  	v0 =	vadd.f32 v0, v2  }
0x57: {  	v57 =	vunpack.i.l.bf16.f32 v4  }
0x58: {  	v0 =	vadd.f32 v57, v0  }
0x59: {  	v58 =	vunpack.i.u.bf16.f32 v4;
	v1 =	vmul.bf16 v55, v56  }
0x5a: {  	v0 =	vadd.f32 v0, v58  }
0x5b: {  	v59 =	vunpack.i.l.bf16.f32 v1  }
0x5c: {  	v0 =	vadd.f32 v59, v0  }
0x5d: {  	v1 =	vunpack.i.u.bf16.f32 v1  }
0x5e: {  	v0 =	vadd.f32 v0, v1  }
0x5f: {  	s16 =	simm.s32 $0xC780  }
0x60: {  	[tilespmem:s16+$0xFFFFFF80] =	vst v0  }
0x61: {  	v0 =	vld [tilespmem:s1+$0x0]  }
0x62: {  	v60 =	vld [tilespmem:s31+$0x0];
	_ =	sdelay $0x4  }
0x63: {  	v0 =	vadd.bf16 v60, v0;
	_ =	sdelay $0x1  }
0x64: {  	[tilespmem:s0+$0x0] =	vst v0  }
0x65: {  	v0 =	vld [tilespmem:s1+$0x10]  }
0x66: {  	v61 =	vld [tilespmem:s31+$0x10];
	_ =	sdelay $0x4  }
0x67: {  	v0 =	vadd.bf16 v61, v0;
	_ =	sdelay $0x1  }
0x68: {  	[tilespmem:s0+$0x10] =	vst v0  }
0x69: {  	v0 =	vld [tilespmem:s1+$0x20]  }
0x6a: {  	v62 =	vld [tilespmem:s31+$0x20];
	_ =	sdelay $0x4  }
0x6b: {  	v0 =	vadd.bf16 v62, v0;
	_ =	sdelay $0x1  }
0x6c: {  	[tilespmem:s0+$0x20] =	vst v0  }
0x6d: {  	v0 =	vld [tilespmem:s1+$0x30]  }
0x6e: {  	v63 =	vld [tilespmem:s31+$0x30];
	_ =	sdelay $0x4  }
0x6f: {  	v0 =	vadd.bf16 v63, v0  }
0x70: {  	s13 =	simm.s32 $0x0  }
0x71: {  	s8 =	simm.s32 $0x7880;
	s9 =	simm.s32 $0x5080;
	s15 =	simm.s32 $0xC780;
	[tilespmem:s0+$0x30] =	vst v0  }
.LBB2_3:
0x72: {  	s13 =	sadd.s32 $0x2, s13;
	s16 =	sadd.s32 $0x100, s16;
	s0 =	sadd.s32 $0x100, s0  }
0x73: {  	p0 =	slt.u32 s13, $0x26;
	v0 =	vld [tilespmem:s31+$0x40]  }
0x74: {  	v1 =	vld [tilespmem:s1+$0x40];
	_ =	sdelay $0x1  }
0x75: {  	v2 =	vld [tilespmem:s31+$0x50]  }
0x76: {  	v3 =	vld [tilespmem:s1+$0x50];
	_ =	sdelay $0x1  }
0x77: {  	v0 =	vmul.bf16 v0, v1  }
0x78: {  	v1 =	vld [tilespmem:s31+$0x60]  }
0x79: {  	v4 =	vunpack.i.l.bf16.f32 v0;
	v5 =	vld [tilespmem:s1+$0x60]  }
0x7a: {  	v0 =	vunpack.i.u.bf16.f32 v0;
	v4 =	vadd.f32 $0.0e+00, v4;
	v2 =	vmul.bf16 v2, v3;
	_ =	sdelay $0x1  }
0x7b: {  	v0 =	vadd.f32 v4, v0;
	v3 =	vunpack.i.l.bf16.f32 v2;
	v4 =	vld [tilespmem:s31+$0x70];
	s31 =	smov.u32 s8  }
0x7c: {  	v6 =	vld [tilespmem:s1+$0x70];
	s1 =	smov.u32 s9  }
0x7d: {  	v2 =	vunpack.i.u.bf16.f32 v2;
	v0 =	vadd.f32 v3, v0;
	v1 =	vmul.bf16 v1, v5;
	_ =	sdelay $0x1  }
0x7e: {  	v0 =	vadd.f32 v0, v2;
	v2 =	vunpack.i.l.bf16.f32 v1;
	_ =	sdelay $0x1  }
0x7f: {  	v1 =	vunpack.i.u.bf16.f32 v1;
	v0 =	vadd.f32 v2, v0;
	v2 =	vmul.bf16 v4, v6;
	_ =	sdelay $0x1  }
0x80: {  	v0 =	vadd.f32 v0, v1;
	v1 =	vunpack.i.l.bf16.f32 v2;
	_ =	sdelay $0x1  }
0x81: {  	v2 =	vunpack.i.u.bf16.f32 v2;
	v0 =	vadd.f32 v1, v0;
	_ =	sdelay $0x1  }
0x82: {  	v0 =	vadd.f32 v0, v2;
	_ =	sdelay $0x1  }
0x83: {  	[tilespmem:s15+$0x0] =	vst v0;
	s15 =	smov.u32 s16  }
0x84: {  	v0 =	vld [tilespmem:s8+$0xFFFFFF80]  }
0x85: {  	v1 =	vld [tilespmem:s9+$0xFFFFFF80];
	_ =	sdelay $0x4  }
0x86: {  	v0 =	vadd.bf16 v0, v1;
	_ =	sdelay $0x1  }
0x87: {  	[tilespmem:s0+$0xFFFFFF80] =	vst v0  }
0x88: {  	v0 =	vld [tilespmem:s9+$0xFFFFFF90]  }
0x89: {  	v1 =	vld [tilespmem:s8+$0xFFFFFF90];
	_ =	sdelay $0x4  }
0x8a: {  	v0 =	vadd.bf16 v1, v0;
	_ =	sdelay $0x1  }
0x8b: {  	[tilespmem:s0+$0xFFFFFF90] =	vst v0  }
0x8c: {  	v0 =	vld [tilespmem:s9+$0xFFFFFFA0]  }
0x8d: {  	v1 =	vld [tilespmem:s8+$0xFFFFFFA0];
	_ =	sdelay $0x4  }
0x8e: {  	v0 =	vadd.bf16 v1, v0;
	_ =	sdelay $0x1  }
0x8f: {  	[tilespmem:s0+$0xFFFFFFA0] =	vst v0  }
0x90: {  	v0 =	vld [tilespmem:s9+$0xFFFFFFB0]  }
0x91: {  	v1 =	vld [tilespmem:s8+$0xFFFFFFB0];
	_ =	sdelay $0x4  }
0x92: {  	v0 =	vadd.bf16 v1, v0;
	_ =	sdelay $0x1  }
0x93: {  	[tilespmem:s0+$0xFFFFFFB0] =	vst v0  }
0x94: {  	v0 =	vld [tilespmem:s9+$0xFFFFFFC0]  }
0x95: {  	v1 =	vld [tilespmem:s8+$0xFFFFFFC0]  }
0x96: {  	v2 =	vld [tilespmem:s9+$0xFFFFFFD0]  }
0x97: {  	v3 =	vld [tilespmem:s8+$0xFFFFFFD0];
	_ =	sdelay $0x2  }
0x98: {  	v0 =	vmul.bf16 v1, v0;
	_ =	sdelay $0x1  }
0x99: {  	v1 =	vunpack.i.l.bf16.f32 v0;
	v2 =	vmul.bf16 v3, v2;
	v3 =	vld [tilespmem:s8+$0xFFFFFFE0]  }
0x9a: {  	v1 =	vadd.f32 $0.0e+00, v1;
	v4 =	vld [tilespmem:s9+$0xFFFFFFE0]  }
0x9b: {  	v0 =	vunpack.i.u.bf16.f32 v0  }
0x9c: {  	v0 =	vadd.f32 v1, v0  }
0x9d: {  	v1 =	vunpack.i.l.bf16.f32 v2;
	v5 =	vld [tilespmem:s8+$0xFFFFFFF0]  }
0x9e: {  	v0 =	vadd.f32 v1, v0;
	v1 =	vld [tilespmem:s9+$0xFFFFFFF0]  }
0x9f: {  	v2 =	vunpack.i.u.bf16.f32 v2;
	v3 =	vmul.bf16 v3, v4  }
0xa0: {  	v0 =	vadd.f32 v0, v2  }
0xa1: {  	v2 =	vunpack.i.l.bf16.f32 v3  }
0xa2: {  	v0 =	vadd.f32 v2, v0  }
0xa3: {  	v2 =	vunpack.i.u.bf16.f32 v3;
	v1 =	vmul.bf16 v5, v1  }
0xa4: {  	v0 =	vadd.f32 v0, v2  }
0xa5: {  	v2 =	vunpack.i.l.bf16.f32 v1  }
0xa6: {  	v0 =	vadd.f32 v2, v0  }
0xa7: {  	v1 =	vunpack.i.u.bf16.f32 v1  }
0xa8: {  	v0 =	vadd.f32 v0, v1;
	_ =	sdelay $0x1  }
0xa9: {  	[tilespmem:s16+$0xFFFFFF80] =	vst v0  }
0xaa: {  	v0 =	vld [tilespmem:s9+$0x0]  }
0xab: {  	v1 =	vld [tilespmem:s8+$0x0];
	_ =	sdelay $0x4  }
0xac: {  	v0 =	vadd.bf16 v1, v0;
	_ =	sdelay $0x1  }
0xad: {  	[tilespmem:s0+$0x0] =	vst v0  }
0xae: {  	v0 =	vld [tilespmem:s9+$0x10]  }
0xaf: {  	v1 =	vld [tilespmem:s8+$0x10];
	_ =	sdelay $0x4  }
0xb0: {  	v0 =	vadd.bf16 v1, v0;
	_ =	sdelay $0x1  }
0xb1: {  	[tilespmem:s0+$0x10] =	vst v0  }
0xb2: {  	v0 =	vld [tilespmem:s9+$0x20]  }
0xb3: {  	v1 =	vld [tilespmem:s8+$0x20];
	_ =	sdelay $0x4  }
0xb4: {  	v0 =	vadd.bf16 v1, v0;
	_ =	sdelay $0x1  }
0xb5: {  	[tilespmem:s0+$0x20] =	vst v0  }
0xb6: {  	v0 =	vld [tilespmem:s9+$0x30]  }
0xb7: {  	v1 =	vld [tilespmem:s8+$0x30];
	_ =	sdelay $0x2  }
.Ltmp2:
0xb8: {  	(pc) =	sbr.rel @p0 .LBB2_3-.Ltmp2, $3  }
0xb9: {  	_ = 	snop  }
0xba: {  	v0 =	vadd.bf16 v1, v0;
	_ =	sdelay $0x1  }
0xbb: {  	s9 =	sadd.s32 $0x100, s9;
	s8 =	sadd.s32 $0x100, s8;
	[tilespmem:s0+$0x30] =	vst v0  }
0xbc: {  	v0 =	vld [tilespmem:s31+$0x40]  }
0xbd: {  	v1 =	vld [tilespmem:s1+$0x40];
	_ =	sdelay $0x2  }
0xbe: {  	v2 =	vld [tilespmem:s31+$0x50]  }
0xbf: {  	v3 =	vld [tilespmem:s1+$0x50]  }
0xc0: {  	v0 =	vmul.bf16 v0, v1;
	_ =	sdelay $0x1  }
0xc1: {  	v38 =	vld [tilespmem:s31+$0x60];
	v4 =	vunpack.i.l.bf16.f32 v0  }
0xc2: {  	v5 =	vld [tilespmem:s1+$0x60];
	v4 =	vadd.f32 $0.0e+00, v4  }
0xc3: {  	v2 =	vmul.bf16 v2, v3;
	v0 =	vunpack.i.u.bf16.f32 v0  }
0xc4: {  	v0 =	vadd.f32 v4, v0  }
0xc5: {  	v39 =	vld [tilespmem:s31+$0x70];
	v3 =	vunpack.i.l.bf16.f32 v2  }
0xc6: {  	v6 =	vld [tilespmem:s1+$0x70];
	v0 =	vadd.f32 v3, v0  }
0xc7: {  	v1 =	vmul.bf16 v38, v5;
	v2 =	vunpack.i.u.bf16.f32 v2  }
0xc8: {  	v0 =	vadd.f32 v0, v2  }
0xc9: {  	v40 =	vunpack.i.l.bf16.f32 v1  }
0xca: {  	v0 =	vadd.f32 v40, v0  }
0xcb: {  	v41 =	vmul.bf16 v39, v6;
	v1 =	vunpack.i.u.bf16.f32 v1  }
0xcc: {  	v0 =	vadd.f32 v0, v1  }
0xcd: {  	v42 =	vunpack.i.l.bf16.f32 v41  }
0xce: {  	s31 =	smul.u32 $0x50, s30;
	v0 =	vadd.f32 v42, v0  }
0xcf: {  	v43 =	vunpack.i.u.bf16.f32 v41  }
0xd0: {  	s0 =	sadd.s32 s3, s31;
	v0 =	vadd.f32 v0, v43  }
0xd1: {  	s0 =	sshll.u32 s0, $0x4  }
0xd2: {  	p0 =	seq.s32 s30, $0x7C;
	s18 =	sadd.s32 s6, s0;
	[tilespmem:s15+$0x0] =	vst v0  }
0xd3: {  	[hbm4b:s18+s2] =	stream.linear.scatter [tilespmem:s21], [sflag:$0x3], $0x1400, $0x38;
	[tilespmem:$0xEF00] =	vst v63  }
0xd4: {  	s1 =	simm.s32 @!p0 $0x28;
	s0 =	sadd.s32 s7, s0  }
0xd5: {  	[hbm4b:s0+s2] =	stream.linear.scatter [tilespmem:s22], [sflag:$0x3], $0x1400, $0x38;
	[tilespmem:$0xEF00] =	vst v63  }
0xd6: {  	s8 =	simm.s32 @!p0 $0x4F00;
	p1 =	seq.s32 @!p0 s30, $0x0;
	s0 =	sadd.s32 @!p0 $0x50, s31  }
0xd7: {  	[tilespmem:s8], [sflag:$0x1] =	stream.indirect.gather @!p0 [hbm4b:s4+s1], $0x80, s0, s1, $0xb8;
	[tilespmem:$0xEF00] =	vst v63  }
0xd8: {  	p1 =	por p0, !p1;
	s0 =	sadd.s32 @!p0 $0x27D0, s31;
	s8 =	simm.s32 @!p0 $0x7700  }
0xd9: {  	[tilespmem:s8], [sflag:$0x1] =	stream.indirect.gather @!p0 [hbm4b:s5+s1], $0x80, s0, s1, $0xb8;
	[tilespmem:$0xEF00] =	vst v63  }
0xda: {  	_ =	swait.ge @p1 [sflag:s28], $0x1400  }
0xdb: {  	[sflag:s28] =	ssyncset.done @p1 $0x0  }
0xdc: {  	[sflag:s28] =	ssyncadd.s32 @p1 $0xFFFFEC00  }
0xdd: {  	_ =	swait.ge @p1 [sflag:s28], $0x1400  }
0xde: {  	[sflag:s28] =	ssyncset.done @p1 $0x0  }
0xdf: {  	[sflag:s28] =	ssyncadd.s32 @p1 $0xFFFFEC00  }
0xe0: {  	_ =	swait.ge [sflag:s23], $0x1400  }
0xe1: {  	[sflag:s23] =	ssyncset.done $0x0  }
0xe2: {  	[sflag:s23] =	ssyncadd.s32 $0xFFFFEC00  }
0xe3: {  	_ =	swait.ge [sflag:s23], $0x1400  }
0xe4: {  	[sflag:s23] =	ssyncset.done $0x0  }
0xe5: {  	s1 =	simm.s32 $0x8BF0;
	[sflag:s23] =	ssyncadd.s32 $0xFFFFEC00  }
0xe6: {  	s0 =	simm.s32 $0x63F0;
	v44 =	vld [tilespmem:s1+$0xFFFFFF10]  }
0xe7: {  	v45 =	vld [tilespmem:s0+$0xFFFFFF10];
	_ =	sdelay $0x4  }
0xe8: {  	v0 =	vadd.bf16 v44, v45  }
0xe9: {  	s9 =	simm.s32 $0xB3B0  }
0xea: {  	[tilespmem:s9+$0xFFFFFF50] =	vst v0  }
0xeb: {  	v0 =	vld [tilespmem:s0+$0xFFFFFF20]  }
0xec: {  	v46 =	vld [tilespmem:s1+$0xFFFFFF20];
	_ =	sdelay $0x4  }
0xed: {  	v0 =	vadd.bf16 v46, v0;
	_ =	sdelay $0x1  }
0xee: {  	[tilespmem:s9+$0xFFFFFF60] =	vst v0  }
0xef: {  	v0 =	vld [tilespmem:s0+$0xFFFFFF30]  }
0xf0: {  	v47 =	vld [tilespmem:s1+$0xFFFFFF30];
	_ =	sdelay $0x4  }
0xf1: {  	v0 =	vadd.bf16 v47, v0;
	_ =	sdelay $0x1  }
0xf2: {  	[tilespmem:s9+$0xFFFFFF70] =	vst v0  }
0xf3: {  	v0 =	vld [tilespmem:s0+$0xFFFFFF40]  }
0xf4: {  	v48 =	vld [tilespmem:s1+$0xFFFFFF40];
	_ =	sdelay $0x4  }
0xf5: {  	v0 =	vadd.bf16 v48, v0;
	_ =	sdelay $0x1  }
0xf6: {  	[tilespmem:s9+$0xFFFFFF80] =	vst v0  }
0xf7: {  	v0 =	vld [tilespmem:s0+$0xFFFFFF50]  }
0xf8: {  	v49 =	vld [tilespmem:s1+$0xFFFFFF50];
	_ =	sdelay $0x2  }
0xf9: {  	v50 =	vld [tilespmem:s0+$0xFFFFFF60]  }
0xfa: {  	v51 =	vld [tilespmem:s1+$0xFFFFFF60]  }
0xfb: {  	v0 =	vmul.bf16 v49, v0;
	_ =	sdelay $0x1  }
0xfc: {  	v52 =	vld [tilespmem:s1+$0xFFFFFF70];
	v1 =	vunpack.i.l.bf16.f32 v0  }
0xfd: {  	v53 =	vld [tilespmem:s0+$0xFFFFFF70];
	v1 =	vadd.f32 $0.0e+00, v1  }
0xfe: {  	v2 =	vmul.bf16 v51, v50;
	v0 =	vunpack.i.u.bf16.f32 v0  }
0xff: {  	v0 =	vadd.f32 v1, v0  }
0x100: {  	v55 =	vld [tilespmem:s1+$0xFFFFFF80];
	v54 =	vunpack.i.l.bf16.f32 v2  }
0x101: {  	v56 =	vld [tilespmem:s0+$0xFFFFFF80];
	v0 =	vadd.f32 v54, v0  }
0x102: {  	v4 =	vmul.bf16 v52, v53;
	v2 =	vunpack.i.u.bf16.f32 v2  }
0x103: {  	v0 =	vadd.f32 v0, v2  }
0x104: {  	v57 =	vunpack.i.l.bf16.f32 v4  }
0x105: {  	v0 =	vadd.f32 v57, v0  }
0x106: {  	v58 =	vunpack.i.u.bf16.f32 v4;
	v1 =	vmul.bf16 v55, v56  }
0x107: {  	v0 =	vadd.f32 v0, v58  }
0x108: {  	v59 =	vunpack.i.l.bf16.f32 v1  }
0x109: {  	v0 =	vadd.f32 v59, v0  }
0x10a: {  	v1 =	vunpack.i.u.bf16.f32 v1  }
0x10b: {  	v0 =	vadd.f32 v0, v1  }
0x10c: {  	s15 =	simm.s32 $0xDB80  }
0x10d: {  	[tilespmem:s15+$0xFFFFFF80] =	vst v0  }
0x10e: {  	v0 =	vld [tilespmem:s0+$0xFFFFFF90]  }
0x10f: {  	v60 =	vld [tilespmem:s1+$0xFFFFFF90];
	_ =	sdelay $0x4  }
0x110: {  	v0 =	vadd.bf16 v60, v0;
	_ =	sdelay $0x1  }
0x111: {  	[tilespmem:s9+$0xFFFFFFD0] =	vst v0  }
0x112: {  	v0 =	vld [tilespmem:s0+$0xFFFFFFA0]  }
0x113: {  	v61 =	vld [tilespmem:s1+$0xFFFFFFA0];
	_ =	sdelay $0x4  }
0x114: {  	v0 =	vadd.bf16 v61, v0;
	_ =	sdelay $0x1  }
0x115: {  	[tilespmem:s9+$0xFFFFFFE0] =	vst v0  }
0x116: {  	v0 =	vld [tilespmem:s0+$0xFFFFFFB0]  }
0x117: {  	v62 =	vld [tilespmem:s1+$0xFFFFFFB0];
	_ =	sdelay $0x4  }
0x118: {  	v0 =	vadd.bf16 v62, v0;
	_ =	sdelay $0x1  }
0x119: {  	[tilespmem:s9+$0xFFFFFFF0] =	vst v0  }
0x11a: {  	v0 =	vld [tilespmem:s0+$0xFFFFFFC0]  }
0x11b: {  	v63 =	vld [tilespmem:s1+$0xFFFFFFC0];
	_ =	sdelay $0x4  }
0x11c: {  	v0 =	vadd.bf16 v63, v0  }
0x11d: {  	s13 =	simm.s32 $0x0;
	s16 =	simm.s32 $0x8BF0  }
0x11e: {  	s18 =	simm.s32 $0x63F0;
	s8 =	simm.s32 $0xB4B0;
	[tilespmem:s9+$0x0] =	vst v0;
	s9 =	simm.s32 $0xDC80  }
.LBB2_5:
0x11f: {  	s13 =	sadd.s32 $0x2, s13;
	s0 =	sadd.s32 $0x100, s0;
	s1 =	sadd.s32 $0x100, s1  }
0x120: {  	p1 =	slt.u32 s13, $0x26;
	v0 =	vld [tilespmem:s16+$0xFFFFFFD0]  }
0x121: {  	v1 =	vld [tilespmem:s18+$0xFFFFFFD0];
	_ =	sdelay $0x1  }
0x122: {  	v2 =	vld [tilespmem:s16+$0xFFFFFFE0]  }
0x123: {  	v3 =	vld [tilespmem:s18+$0xFFFFFFE0];
	_ =	sdelay $0x1  }
0x124: {  	v0 =	vmul.bf16 v0, v1  }
0x125: {  	v1 =	vld [tilespmem:s16+$0xFFFFFFF0]  }
0x126: {  	v4 =	vunpack.i.l.bf16.f32 v0;
	v5 =	vld [tilespmem:s18+$0xFFFFFFF0]  }
0x127: {  	v0 =	vunpack.i.u.bf16.f32 v0;
	v4 =	vadd.f32 $0.0e+00, v4;
	v2 =	vmul.bf16 v2, v3;
	_ =	sdelay $0x1  }
0x128: {  	v0 =	vadd.f32 v4, v0;
	v3 =	vunpack.i.l.bf16.f32 v2;
	v4 =	vld [tilespmem:s16+$0x0];
	s16 =	smov.u32 s1  }
0x129: {  	v6 =	vld [tilespmem:s18+$0x0];
	s18 =	smov.u32 s0  }
0x12a: {  	v2 =	vunpack.i.u.bf16.f32 v2;
	v0 =	vadd.f32 v3, v0;
	v1 =	vmul.bf16 v1, v5;
	_ =	sdelay $0x1  }
0x12b: {  	v0 =	vadd.f32 v0, v2;
	v2 =	vunpack.i.l.bf16.f32 v1;
	_ =	sdelay $0x1  }
0x12c: {  	v1 =	vunpack.i.u.bf16.f32 v1;
	v0 =	vadd.f32 v2, v0;
	v2 =	vmul.bf16 v4, v6;
	_ =	sdelay $0x1  }
0x12d: {  	v0 =	vadd.f32 v0, v1;
	v1 =	vunpack.i.l.bf16.f32 v2;
	_ =	sdelay $0x1  }
0x12e: {  	v2 =	vunpack.i.u.bf16.f32 v2;
	v0 =	vadd.f32 v1, v0;
	_ =	sdelay $0x1  }
0x12f: {  	v0 =	vadd.f32 v0, v2;
	_ =	sdelay $0x1  }
0x130: {  	[tilespmem:s15+$0x0] =	vst v0;
	s15 =	smov.u32 s9  }
0x131: {  	v0 =	vld [tilespmem:s1+$0xFFFFFF10]  }
0x132: {  	v1 =	vld [tilespmem:s0+$0xFFFFFF10];
	_ =	sdelay $0x4  }
0x133: {  	v0 =	vadd.bf16 v0, v1;
	_ =	sdelay $0x1  }
0x134: {  	[tilespmem:s8+$0xFFFFFF50] =	vst v0  }
0x135: {  	v0 =	vld [tilespmem:s0+$0xFFFFFF20]  }
0x136: {  	v1 =	vld [tilespmem:s1+$0xFFFFFF20];
	_ =	sdelay $0x4  }
0x137: {  	v0 =	vadd.bf16 v1, v0;
	_ =	sdelay $0x1  }
0x138: {  	[tilespmem:s8+$0xFFFFFF60] =	vst v0  }
0x139: {  	v0 =	vld [tilespmem:s0+$0xFFFFFF30]  }
0x13a: {  	v1 =	vld [tilespmem:s1+$0xFFFFFF30];
	_ =	sdelay $0x4  }
0x13b: {  	v0 =	vadd.bf16 v1, v0;
	_ =	sdelay $0x1  }
0x13c: {  	[tilespmem:s8+$0xFFFFFF70] =	vst v0  }
0x13d: {  	v0 =	vld [tilespmem:s0+$0xFFFFFF40]  }
0x13e: {  	v1 =	vld [tilespmem:s1+$0xFFFFFF40];
	_ =	sdelay $0x4  }
0x13f: {  	v0 =	vadd.bf16 v1, v0;
	_ =	sdelay $0x1  }
0x140: {  	[tilespmem:s8+$0xFFFFFF80] =	vst v0  }
0x141: {  	v0 =	vld [tilespmem:s0+$0xFFFFFF50]  }
0x142: {  	v1 =	vld [tilespmem:s1+$0xFFFFFF50]  }
0x143: {  	v2 =	vld [tilespmem:s0+$0xFFFFFF60]  }
0x144: {  	v3 =	vld [tilespmem:s1+$0xFFFFFF60];
	_ =	sdelay $0x2  }
0x145: {  	v0 =	vmul.bf16 v1, v0;
	_ =	sdelay $0x1  }
0x146: {  	v1 =	vunpack.i.l.bf16.f32 v0;
	v2 =	vmul.bf16 v3, v2;
	v3 =	vld [tilespmem:s1+$0xFFFFFF70]  }
0x147: {  	v1 =	vadd.f32 $0.0e+00, v1;
	v4 =	vld [tilespmem:s0+$0xFFFFFF70]  }
0x148: {  	v0 =	vunpack.i.u.bf16.f32 v0  }
0x149: {  	v0 =	vadd.f32 v1, v0  }
0x14a: {  	v1 =	vunpack.i.l.bf16.f32 v2;
	v5 =	vld [tilespmem:s1+$0xFFFFFF80]  }
0x14b: {  	v0 =	vadd.f32 v1, v0;
	v1 =	vld [tilespmem:s0+$0xFFFFFF80]  }
0x14c: {  	v2 =	vunpack.i.u.bf16.f32 v2;
	v3 =	vmul.bf16 v3, v4  }
0x14d: {  	v0 =	vadd.f32 v0, v2  }
0x14e: {  	v2 =	vunpack.i.l.bf16.f32 v3  }
0x14f: {  	v0 =	vadd.f32 v2, v0  }
0x150: {  	v2 =	vunpack.i.u.bf16.f32 v3;
	v1 =	vmul.bf16 v5, v1  }
0x151: {  	v0 =	vadd.f32 v0, v2  }
0x152: {  	v2 =	vunpack.i.l.bf16.f32 v1  }
0x153: {  	v0 =	vadd.f32 v2, v0  }
0x154: {  	v1 =	vunpack.i.u.bf16.f32 v1  }
0x155: {  	v0 =	vadd.f32 v0, v1;
	_ =	sdelay $0x1  }
0x156: {  	[tilespmem:s9+$0xFFFFFF80] =	vst v0  }
0x157: {  	v0 =	vld [tilespmem:s0+$0xFFFFFF90]  }
0x158: {  	v1 =	vld [tilespmem:s1+$0xFFFFFF90];
	_ =	sdelay $0x4  }
0x159: {  	v0 =	vadd.bf16 v1, v0;
	_ =	sdelay $0x1  }
0x15a: {  	[tilespmem:s8+$0xFFFFFFD0] =	vst v0  }
0x15b: {  	v0 =	vld [tilespmem:s0+$0xFFFFFFA0]  }
0x15c: {  	v1 =	vld [tilespmem:s1+$0xFFFFFFA0];
	_ =	sdelay $0x4  }
0x15d: {  	v0 =	vadd.bf16 v1, v0;
	_ =	sdelay $0x1  }
0x15e: {  	[tilespmem:s8+$0xFFFFFFE0] =	vst v0  }
0x15f: {  	v0 =	vld [tilespmem:s0+$0xFFFFFFB0]  }
0x160: {  	v1 =	vld [tilespmem:s1+$0xFFFFFFB0];
	_ =	sdelay $0x4  }
0x161: {  	v0 =	vadd.bf16 v1, v0;
	_ =	sdelay $0x1  }
0x162: {  	[tilespmem:s8+$0xFFFFFFF0] =	vst v0  }
0x163: {  	v0 =	vld [tilespmem:s0+$0xFFFFFFC0]  }
0x164: {  	v1 =	vld [tilespmem:s1+$0xFFFFFFC0];
	_ =	sdelay $0x2  }
.Ltmp3:
0x165: {  	(pc) =	sbr.rel @p1 .LBB2_5-.Ltmp3, $3  }
0x166: {  	_ = 	snop  }
0x167: {  	v0 =	vadd.bf16 v1, v0;
	_ =	sdelay $0x1  }
0x168: {  	s9 =	sadd.s32 $0x100, s9;
	[tilespmem:s8+$0x0] =	vst v0;
	s8 =	sadd.s32 $0x100, s8  }
0x169: {  	v0 =	vld [tilespmem:s16+$0xFFFFFFD0]  }
0x16a: {  	v1 =	vld [tilespmem:s18+$0xFFFFFFD0];
	_ =	sdelay $0x2  }
0x16b: {  	v2 =	vld [tilespmem:s16+$0xFFFFFFE0]  }
0x16c: {  	v3 =	vld [tilespmem:s18+$0xFFFFFFE0]  }
0x16d: {  	v0 =	vmul.bf16 v0, v1;
	_ =	sdelay $0x1  }
0x16e: {  	v58 =	vld [tilespmem:s16+$0xFFFFFFF0];
	v4 =	vunpack.i.l.bf16.f32 v0  }
0x16f: {  	v5 =	vld [tilespmem:s18+$0xFFFFFFF0];
	v4 =	vadd.f32 $0.0e+00, v4  }
0x170: {  	v2 =	vmul.bf16 v2, v3;
	v0 =	vunpack.i.u.bf16.f32 v0  }
0x171: {  	v0 =	vadd.f32 v4, v0  }
0x172: {  	v59 =	vld [tilespmem:s16+$0x0];
	v3 =	vunpack.i.l.bf16.f32 v2  }
0x173: {  	v6 =	vld [tilespmem:s18+$0x0];
	v0 =	vadd.f32 v3, v0  }
0x174: {  	v1 =	vmul.bf16 v58, v5;
	v2 =	vunpack.i.u.bf16.f32 v2  }
0x175: {  	v0 =	vadd.f32 v0, v2  }
0x176: {  	v60 =	vunpack.i.l.bf16.f32 v1  }
0x177: {  	v0 =	vadd.f32 v60, v0  }
0x178: {  	v61 =	vmul.bf16 v59, v6;
	v1 =	vunpack.i.u.bf16.f32 v1  }
0x179: {  	v0 =	vadd.f32 v0, v1  }
0x17a: {  	v62 =	vunpack.i.l.bf16.f32 v61  }
0x17b: {  	v0 =	vadd.f32 v62, v0  }
0x17c: {  	v63 =	vunpack.i.u.bf16.f32 v61  }
0x17d: {  	s0 =	sadd.s32 s31, s10;
	v0 =	vadd.f32 v0, v63  }
.Ltmp4:
0x17e: {  	s0 =	sshll.u32 s0, $0x4;
	(pc) =	sbr.rel @p0 .LBB2_8-.Ltmp4, $4  }
0x17f: {  	s1 =	sadd.s32 s6, s0;
	[tilespmem:s15+$0x0] =	vst v0  }
0x180: {  	[hbm4b:s1+s2] =	stream.linear.scatter [tilespmem:s24], [sflag:$0x4], $0x1400, $0x38;
	[tilespmem:$0xEF00] =	vst v63  }
0x181: {  	s0 =	sadd.s32 s7, s0  }
0x182: {  	[hbm4b:s0+s2] =	stream.linear.scatter [tilespmem:s25], [sflag:$0x4], $0x1400, $0x38;
	[tilespmem:$0xEF00] =	vst v63  }
.Ltmp5:
0x183: {  	(pc) =	sbr.rel .LBB2_2-.Ltmp5, $4  }
0x184: {  	s0 =	sadd.s32 $0x78, s31  }
0x185: {  	[tilespmem:s17], [sflag:$0x2] =	stream.indirect.gather [hbm4b:s4+s14], $0x80, s0, s14, $0xb8;
	[tilespmem:$0xEF00] =	vst v63  }
0x186: {  	s31 =	sadd.s32 $0x27F8, s31;
	s30 =	sadd.s32 $0x1, s30  }
0x187: {  	[tilespmem:s19], [sflag:$0x2] =	stream.indirect.gather [hbm4b:s5+s14], $0x80, s31, s14, $0xb8;
	[tilespmem:$0xEF00] =	vst v63  }
.LBB2_9:
0x188: {  	_ =	sfence.sel $0x180000  }
0x189: {  	[bflag:$0x0] =	sbarrier.arrive $0xFFFF  }
0x18a: {  	_ =	strace $0x90000047  }
0x18b: {  	s0 =	stileid.u32;
	[bflag:$0x2] =	sbarrier.arrive $0xFFFF  }
0x18c: {  	p0 =	sne.s32 s0, $0x0;
	s0 =	rddreg [dreg:$0x1]  }
0x18d: {  	s0 =	sadd.s32 @!p0 $0x100000, s0  }
0x18e: {  	[sflag:s0] =	ssyncadd.tile.s32 @!p0 $0x1;
	_ =	shalt  }
.Lfunc_end2:
_tile_overlayer_lowered:
.L_overlay_start_2:
0x18f: {  	(tag) =	ssettag $0x2  }
0x190: {  	s0 =	rddreg [dreg:$0x0];
	s2 =	stileid.u32  }
0x191: {  	s1 =	rddreg [dreg:$0x1];
	p0 =	sne.s32 s2, $0x0  }
0x192: {  	s3 =	rddreg [dreg:$0x2];
	[bflag:$0x3] =	sbarrier.arrive $0xFFFF;
	s2 =	simm.s32 @!p0 $0x1C05  }
0x193: {  	[timem:s3], [sflag:s2] =	dma.local @!p0 [hbm:s0], s1  }
0x194: {  	s0 =	simm.s32 @!p0 $0x5  }
0x195: {  	_ =	swait.ge @!p0 [sflag:s0], s1  }
0x196: {  	s1 =	ssub.s32 @!p0 $0x0, s1;
	[sflag:s0] =	ssyncset.done @!p0 $0x0  }
0x197: {  	[sflag:s0] =	ssyncadd.s32 @!p0 s1  }
0x198: {  	[bflag:$0x3] =	sbarrier.arrive $0xFFFF  }
0x199: {  	_ =	shalt  }

</sc_bundles>
